<compile_context>
chip_gen: v7x
topology: tpu7x:2x2x1
jax: 0.10.2.dev20260603
libtpu: 0.0.44.dev20260713+nightly
codegen_flags: <defaults>
</compile_context>

<pallas_src>
import functools

import jax
import jax.numpy as jnp
from jax import lax
from jax.experimental import pallas as pl
from jax.experimental.pallas import tpu as pltpu
from jax.experimental.pallas import tpu_sc as plsc

AUG_THRESHOLD = 1024
KTC = 11
BIG16 = 32767
NBUF_IN = 4

CPOS = 128
NB = 4
CW = CPOS * 128
NCAND = 13



def _make_tc_outer(R, L, D):
    def outer(lens_ref, ptab_ref, x_hbm, o_hbm):
        def inner(x_ref, o_ref):
            b = pl.program_id(0)
            ln = lens_ref[b]
            lim = jnp.where(ln > AUG_THRESHOLD, ln, 0).astype(jnp.int16)
            o_ref[0] = jnp.where(ptab_ref[0] < lim, 0.0, x_ref[0])

        pipeline = pltpu.emit_pipeline(
            inner,
            grid=(R,),
            in_specs=[
                pl.BlockSpec(
                    (1, L, D),
                    lambda g: (g, 0, 0),
                    pipeline_mode=pl.Buffered(
                        buffer_count=NBUF_IN, use_lookahead=True
                    ),
                )
            ],
            out_specs=[pl.BlockSpec((1, L, D), lambda g: (g, 0, 0))],
        )
        pipeline(x_hbm, o_hbm)

    return outer


def _tc_kernel(x, seq_lens):
    R, L, D = x.shape
    pos = jnp.arange(L, dtype=jnp.int32)
    ptab = jnp.where(pos % 10 == 0, pos, BIG16).astype(jnp.int16)[None, :, None]
    return pl.pallas_call(
        _make_tc_outer(R, L, D),
        grid_spec=pltpu.PrefetchScalarGridSpec(
            num_scalar_prefetch=1,
            grid=(1,),
            in_specs=[
                pl.BlockSpec(memory_space=pltpu.VMEM),
                pl.BlockSpec(memory_space=pltpu.HBM),
            ],
            out_specs=pl.BlockSpec(memory_space=pltpu.HBM),
        ),
        out_shape=jax.ShapeDtypeStruct((R, L, D), x.dtype),
    )(seq_lens, ptab, x)



def _sc_body(row0, nr, L, D, x_hbm, lens_hbm, o_hbm, b0, b1, b2, b3, lens_v,
             sem_in, sem_out):
    bufs = (b0, b1, b2, b3)
    nchunk = nr
    c = lax.axis_index("c")
    s = lax.axis_index("s")
    w = s * 2 + c

    pltpu.sync_copy(lens_hbm, lens_v)

    def chunk_pos(g):
        return (w * nchunk + g) * CPOS

    def in_copy(g, j):
        off = chunk_pos(g) * D
        return pltpu.make_async_copy(
            x_hbm.at[pl.ds(off, CW)], bufs[j], sem_in.at[j]
        )

    def out_copy(g, j):
        off = chunk_pos(g) * D
        return pltpu.make_async_copy(
            bufs[j], o_hbm.at[pl.ds(off, CW)], sem_out.at[j]
        )

    zeros16 = jnp.zeros((16,), jnp.float32)

    for g in range(min(NB, nchunk)):
        in_copy(g, g % NB).start()

    for g in range(nchunk):
        j = g % NB
        if g >= 2 and g + 2 < nchunk:
            out_copy(g - 2, (g - 2) % NB).wait()
            in_copy(g + 2, (g + 2) % NB).start()
        in_copy(g, j).wait()

        gpos = chunk_pos(g)
        row = row0 + gpos // L
        base = gpos - (gpos // L) * L
        row_idx = jnp.full((16,), row, jnp.int32)
        ln_vec = plsc.load_gather(lens_v, [row_idx])
        lim_vec = jnp.where(ln_vec > AUG_THRESHOLD, ln_vec, 0)
        first = lax.rem(10 - lax.rem(base, 10), 10)
        buf = bufs[j]

        def zero_body(i, _):
            offc = first + 10 * i
            p_vec = jnp.full((16,), base + offc, jnp.int32)
            off_vec = jnp.full((16,), offc, jnp.int32)
            cond = (off_vec < CPOS) & (p_vec < lim_vec)
            addr = jnp.minimum(offc, CPOS - 1) * D
            for k in range(8):
                sl = pl.ds(addr + 16 * k, 16)
                buf[sl] = jnp.where(cond, zeros16, buf[sl])
            return 0

        lax.fori_loop(0, NCAND, zero_body, 0)

        out_copy(g, j).start()

    for g in range(max(nchunk - NB, 0), nchunk):
        out_copy(g, g % NB).wait()


def _sc_kernel(x, seq_lens, row0):
    nr, L, D = x.shape
    x1 = x.reshape(-1)
    mesh = plsc.VectorSubcoreMesh(core_axis_name="c", subcore_axis_name="s")
    kern = functools.partial(
        pl.kernel,
        mesh=mesh,
        out_type=jax.ShapeDtypeStruct((nr * L * D,), jnp.float32),
        scratch_types=[
            pltpu.VMEM((CW,), jnp.float32),
            pltpu.VMEM((CW,), jnp.float32),
            pltpu.VMEM((CW,), jnp.float32),
            pltpu.VMEM((CW,), jnp.float32),
            pltpu.VMEM((16,), jnp.int32),
            pltpu.SemaphoreType.DMA((NB,)),
            pltpu.SemaphoreType.DMA((NB,)),
        ],
        compiler_params=pltpu.CompilerParams(needs_layout_passes=False),
    )(functools.partial(_sc_body, row0, nr, L, D))
    return kern(x1, seq_lens).reshape(nr, L, D)


def kernel(sequences, seq_lens):
    B, L, D = sequences.shape
    tc_out = _tc_kernel(sequences[:KTC], seq_lens)
    sc_out = _sc_kernel(sequences[KTC:], seq_lens, KTC)
    return jnp.concatenate([tc_out, sc_out], axis=0), seq_lens

# --- scband reference (transcript-rebuilt; emitter-appended) ---
"""Pipeline reference for scband-random-augmentation-16801912062153 (READ-ONLY COPY).

The authoritative reference and input builder live on the scoring server;
editing this copy changes nothing except your own understanding.
"""

import jax, jax.numpy as jnp
import numpy as np

AUG_THRESHOLD = 1024  # init kwarg: augment_threshold


def setup_inputs(seed: int = 0) -> dict:
    key = jax.random.key(seed)
    k1, k2 = jax.random.split(key)
    sequences = jax.random.normal(k1, (16, 4096, 128), dtype=jnp.float32)
    seq_lens = jax.random.randint(k2, (16,), 0, 4096, dtype=jnp.int32)
    return {"sequences": sequences, "seq_lens": seq_lens}


def reference(sequences, seq_lens):
    # Faithful translation with deterministic augmentation methods:
    #   short sequences (len <= threshold): identity
    #   long sequences  (len >  threshold): mask_every_10th (zero out every
    #       10th valid position within the true sequence length)
    # Since identity / masking preserve per-row length, pad_sequence returns
    # the same padded shape [B, L, D] and seq_lens are unchanged.
    B, L, D = sequences.shape
    pos = jnp.arange(L)
    valid = pos[None, :] < seq_lens[:, None]
    is_long = (seq_lens > AUG_THRESHOLD)[:, None]
    mask = (pos[None, :] % 10 == 0) & valid & is_long
    new_seqs = jnp.where(mask[:, :, None], 0.0, sequences)
    new_seq_lens = seq_lens
    return new_seqs, new_seq_lens

if __name__ == "__main__":
    import jax
    _d = setup_inputs()
    print(jax.jit(kernel)(*tuple(_d.values())))

</pallas_src>

<mosaic_0001>
#map = affine_map<(d0, d1) -> (0)>
module attributes {stable_mosaic.version = 14 : i64} {
  func.func @_sc_body(%arg0: i32, %arg1: i32, %arg2: memref<2621440xf32, #tpu.memory_space<hbm>>, %arg3: memref<16xi32, #tpu.memory_space<hbm>>, %arg4: memref<2621440xf32, #tpu.memory_space<hbm>>, %arg5: memref<16384xf32, #tpu.memory_space<vmem>>, %arg6: memref<16384xf32, #tpu.memory_space<vmem>>, %arg7: memref<16384xf32, #tpu.memory_space<vmem>>, %arg8: memref<16384xf32, #tpu.memory_space<vmem>>, %arg9: memref<16xi32, #tpu.memory_space<vmem>>, %arg10: memref<4x!tpu.dma_semaphore, #tpu.memory_space<semaphore_mem>>, %arg11: memref<4x!tpu.dma_semaphore, #tpu.memory_space<semaphore_mem>>) attributes {dimension_semantics = [#tpu.dimension_semantics<core_parallel>, #tpu.dimension_semantics<subcore_parallel>], iteration_bounds = array<i64: 2, 16>, scalar_prefetch = 0 : i64, scratch_operands = 7 : i64, tpu.core_type = #tpu.core_type<sc_vector_subcore>, window_params = [{transform_indices = #map}, {transform_indices = #map}, {transform_indices = #map}]} {
    %mul3A = arith.constant 2 : i32
    %mul3A_0 = arith.muli %arg1, %mul3A : i32
    %add3A = arith.addi %mul3A_0, %arg0 : i32
    "tpu.region"() ({
      %run_scoped3A = tpu.sem_alloc : memref<!tpu.dma_semaphore, #tpu.memory_space<semaphore_mem>>
      tpu.enqueue_dma source(%arg3 : memref<16xi32, #tpu.memory_space<hbm>>) target(%arg9 : memref<16xi32, #tpu.memory_space<vmem>>) target_semaphore(%run_scoped3A : memref<!tpu.dma_semaphore, #tpu.memory_space<semaphore_mem>>)
      tpu.wait_dma2 semaphore(%run_scoped3A : memref<!tpu.dma_semaphore, #tpu.memory_space<semaphore_mem>>) src(%arg3 : memref<16xi32, #tpu.memory_space<hbm>>) dst(%arg9 : memref<16xi32, #tpu.memory_space<vmem>>)
      tpu.yield
    }) : () -> ()
    %broadcast_in_dim3A = arith.constant 0.000000e+00 : f32
    %broadcast_in_dim3A_1 = vector.broadcast %broadcast_in_dim3A : f32 to vector<16xf32>
    %mul3A_2 = arith.constant 5 : i32
    %mul3A_3 = arith.muli %add3A, %mul3A_2 : i32
    %add3A_4 = arith.constant 0 : i32
    %add3A_5 = arith.addi %mul3A_3, %add3A_4 : i32
    %mul3A_6 = arith.constant 128 : i32
    %mul3A_7 = arith.muli %add3A_5, %mul3A_6 : i32
    %mul3A_8 = arith.constant 128 : i32
    %mul3A_9 = arith.muli %mul3A_7, %mul3A_8 : i32
    %dma_start3A = arith.constant 0 : i32
    %dma_start3A_10 = tpu.memref_slice %arg2[%mul3A_9] : memref<2621440xf32, #tpu.memory_space<hbm>> -> memref<16384xf32, #tpu.memory_space<hbm>>
    %dma_start3A_11 = tpu.memref_slice %arg10[%dma_start3A] : memref<4x!tpu.dma_semaphore, #tpu.memory_space<semaphore_mem>> -> memref<1x!tpu.dma_semaphore, #tpu.memory_space<semaphore_mem>>
    %dma_start3A_12 = tpu.memref_squeeze %dma_start3A_11 : memref<1x!tpu.dma_semaphore, #tpu.memory_space<semaphore_mem>> -> memref<!tpu.dma_semaphore, #tpu.memory_space<semaphore_mem>>
    %dma_start3A_13 = tpu.memref_slice %arg2[%mul3A_9] : memref<2621440xf32, #tpu.memory_space<hbm>> -> memref<16384xf32, #tpu.memory_space<hbm>>
    tpu.enqueue_dma source(%dma_start3A_13 : memref<16384xf32, #tpu.memory_space<hbm>>) target(%arg5 : memref<16384xf32, #tpu.memory_space<vmem>>) target_semaphore(%dma_start3A_12 : memref<!tpu.dma_semaphore, #tpu.memory_space<semaphore_mem>>)
    %mul3A_14 = arith.constant 5 : i32
    %mul3A_15 = arith.muli %add3A, %mul3A_14 : i32
    %add3A_16 = arith.constant 1 : i32
    %add3A_17 = arith.addi %mul3A_15, %add3A_16 : i32
    %mul3A_18 = arith.constant 128 : i32
    %mul3A_19 = arith.muli %add3A_17, %mul3A_18 : i32
    %mul3A_20 = arith.constant 128 : i32
    %mul3A_21 = arith.muli %mul3A_19, %mul3A_20 : i32
    %dma_start3A_22 = arith.constant 1 : i32
    %dma_start3A_23 = tpu.memref_slice %arg2[%mul3A_21] : memref<2621440xf32, #tpu.memory_space<hbm>> -> memref<16384xf32, #tpu.memory_space<hbm>>
    %dma_start3A_24 = tpu.memref_slice %arg10[%dma_start3A_22] : memref<4x!tpu.dma_semaphore, #tpu.memory_space<semaphore_mem>> -> memref<1x!tpu.dma_semaphore, #tpu.memory_space<semaphore_mem>>
    %dma_start3A_25 = tpu.memref_squeeze %dma_start3A_24 : memref<1x!tpu.dma_semaphore, #tpu.memory_space<semaphore_mem>> -> memref<!tpu.dma_semaphore, #tpu.memory_space<semaphore_mem>>
    %dma_start3A_26 = tpu.memref_slice %arg2[%mul3A_21] : memref<2621440xf32, #tpu.memory_space<hbm>> -> memref<16384xf32, #tpu.memory_space<hbm>>
    tpu.enqueue_dma source(%dma_start3A_26 : memref<16384xf32, #tpu.memory_space<hbm>>) target(%arg6 : memref<16384xf32, #tpu.memory_space<vmem>>) target_semaphore(%dma_start3A_25 : memref<!tpu.dma_semaphore, #tpu.memory_space<semaphore_mem>>)
    %mul3A_27 = arith.constant 5 : i32
    %mul3A_28 = arith.muli %add3A, %mul3A_27 : i32
    %add3A_29 = arith.constant 2 : i32
    %add3A_30 = arith.addi %mul3A_28, %add3A_29 : i32
    %mul3A_31 = arith.constant 128 : i32
    %mul3A_32 = arith.muli %add3A_30, %mul3A_31 : i32
    %mul3A_33 = arith.constant 128 : i32
    %mul3A_34 = arith.muli %mul3A_32, %mul3A_33 : i32
    %dma_start3A_35 = arith.constant 2 : i32
    %dma_start3A_36 = tpu.memref_slice %arg2[%mul3A_34] : memref<2621440xf32, #tpu.memory_space<hbm>> -> memref<16384xf32, #tpu.memory_space<hbm>>
    %dma_start3A_37 = tpu.memref_slice %arg10[%dma_start3A_35] : memref<4x!tpu.dma_semaphore, #tpu.memory_space<semaphore_mem>> -> memref<1x!tpu.dma_semaphore, #tpu.memory_space<semaphore_mem>>
    %dma_start3A_38 = tpu.memref_squeeze %dma_start3A_37 : memref<1x!tpu.dma_semaphore, #tpu.memory_space<semaphore_mem>> -> memref<!tpu.dma_semaphore, #tpu.memory_space<semaphore_mem>>
    %dma_start3A_39 = tpu.memref_slice %arg2[%mul3A_34] : memref<2621440xf32, #tpu.memory_space<hbm>> -> memref<16384xf32, #tpu.memory_space<hbm>>
    tpu.enqueue_dma source(%dma_start3A_39 : memref<16384xf32, #tpu.memory_space<hbm>>) target(%arg7 : memref<16384xf32, #tpu.memory_space<vmem>>) target_semaphore(%dma_start3A_38 : memref<!tpu.dma_semaphore, #tpu.memory_space<semaphore_mem>>)
    %mul3A_40 = arith.constant 5 : i32
    %mul3A_41 = arith.muli %add3A, %mul3A_40 : i32
    %add3A_42 = arith.constant 3 : i32
    %add3A_43 = arith.addi %mul3A_41, %add3A_42 : i32
    %mul3A_44 = arith.constant 128 : i32
    %mul3A_45 = arith.muli %add3A_43, %mul3A_44 : i32
    %mul3A_46 = arith.constant 128 : i32
    %mul3A_47 = arith.muli %mul3A_45, %mul3A_46 : i32
    %dma_start3A_48 = arith.constant 3 : i32
    %dma_start3A_49 = tpu.memref_slice %arg2[%mul3A_47] : memref<2621440xf32, #tpu.memory_space<hbm>> -> memref<16384xf32, #tpu.memory_space<hbm>>
    %dma_start3A_50 = tpu.memref_slice %arg10[%dma_start3A_48] : memref<4x!tpu.dma_semaphore, #tpu.memory_space<semaphore_mem>> -> memref<1x!tpu.dma_semaphore, #tpu.memory_space<semaphore_mem>>
    %dma_start3A_51 = tpu.memref_squeeze %dma_start3A_50 : memref<1x!tpu.dma_semaphore, #tpu.memory_space<semaphore_mem>> -> memref<!tpu.dma_semaphore, #tpu.memory_space<semaphore_mem>>
    %dma_start3A_52 = tpu.memref_slice %arg2[%mul3A_47] : memref<2621440xf32, #tpu.memory_space<hbm>> -> memref<16384xf32, #tpu.memory_space<hbm>>
    tpu.enqueue_dma source(%dma_start3A_52 : memref<16384xf32, #tpu.memory_space<hbm>>) target(%arg8 : memref<16384xf32, #tpu.memory_space<vmem>>) target_semaphore(%dma_start3A_51 : memref<!tpu.dma_semaphore, #tpu.memory_space<semaphore_mem>>)
    %mul3A_53 = arith.constant 5 : i32
    %mul3A_54 = arith.muli %add3A, %mul3A_53 : i32
    %add3A_55 = arith.constant 0 : i32
    %add3A_56 = arith.addi %mul3A_54, %add3A_55 : i32
    %mul3A_57 = arith.constant 128 : i32
    %mul3A_58 = arith.muli %add3A_56, %mul3A_57 : i32
    %mul3A_59 = arith.constant 128 : i32
    %mul3A_60 = arith.muli %mul3A_58, %mul3A_59 : i32
    %dma_wait3A = arith.constant 0 : i32
    %dma_wait3A_61 = tpu.memref_slice %arg2[%mul3A_60] : memref<2621440xf32, #tpu.memory_space<hbm>> -> memref<16384xf32, #tpu.memory_space<hbm>>
    %dma_wait3A_62 = tpu.memref_slice %arg10[%dma_wait3A] : memref<4x!tpu.dma_semaphore, #tpu.memory_space<semaphore_mem>> -> memref<1x!tpu.dma_semaphore, #tpu.memory_space<semaphore_mem>>
    %dma_wait3A_63 = tpu.memref_squeeze %dma_wait3A_62 : memref<1x!tpu.dma_semaphore, #tpu.memory_space<semaphore_mem>> -> memref<!tpu.dma_semaphore, #tpu.memory_space<semaphore_mem>>
    %dma_wait3A_64 = tpu.memref_slice %arg2[%mul3A_60] : memref<2621440xf32, #tpu.memory_space<hbm>> -> memref<16384xf32, #tpu.memory_space<hbm>>
    tpu.wait_dma2 semaphore(%dma_wait3A_63 : memref<!tpu.dma_semaphore, #tpu.memory_space<semaphore_mem>>) src(%dma_wait3A_64 : memref<16384xf32, #tpu.memory_space<hbm>>) dst(%arg5 : memref<16384xf32, #tpu.memory_space<vmem>>)
    %mul3A_65 = arith.constant 5 : i32
    %mul3A_66 = arith.muli %add3A, %mul3A_65 : i32
    %add3A_67 = arith.constant 0 : i32
    %add3A_68 = arith.addi %mul3A_66, %add3A_67 : i32
    %mul3A_69 = arith.constant 128 : i32
    %mul3A_70 = arith.muli %add3A_68, %mul3A_69 : i32
    %jit3A = arith.constant 4096 : i32
    %div3A = arith.divsi %mul3A_70, %jit3A : i32
    %sign3A = arith.constant 0 : i32
    %sign3A_71 = arith.cmpi sgt, %mul3A_70, %sign3A : i32
    %sign3A_72 = arith.extui %sign3A_71 : i1 to i32
    %sign3A_73 = arith.constant 0 : i32
    %sign3A_74 = arith.cmpi slt, %mul3A_70, %sign3A_73 : i32
    %sign3A_75 = arith.extui %sign3A_74 : i1 to i32
    %sign3A_76 = arith.subi %sign3A_72, %sign3A_75 : i32
    %sign3A_77 = arith.constant 0 : i32
    %sign3A_78 = arith.cmpi sgt, %jit3A, %sign3A_77 : i32
    %sign3A_79 = arith.extui %sign3A_78 : i1 to i32
    %sign3A_80 = arith.constant 0 : i32
    %sign3A_81 = arith.cmpi slt, %jit3A, %sign3A_80 : i32
    %sign3A_82 = arith.extui %sign3A_81 : i1 to i32
    %sign3A_83 = arith.subi %sign3A_79, %sign3A_82 : i32
    %ne3A = arith.cmpi ne, %sign3A_76, %sign3A_83 : i32
    %rem3A = arith.remsi %mul3A_70, %jit3A : i32
    %ne3A_84 = arith.constant 0 : i32
    %ne3A_85 = arith.cmpi ne, %rem3A, %ne3A_84 : i32
    %and3A = arith.andi %ne3A, %ne3A_85 : i1
    %sub3A = arith.constant 1 : i32
    %sub3A_86 = arith.subi %div3A, %sub3A : i32
    %select_n3A = arith.select %and3A, %sub3A_86, %div3A : i32
    %add3A_87 = arith.constant 11 : i32
    %add3A_88 = arith.addi %add3A_87, %select_n3A : i32
    %jit3A_89 = arith.constant 4096 : i32
    %div3A_90 = arith.divsi %mul3A_70, %jit3A_89 : i32
    %sign3A_91 = arith.constant 0 : i32
    %sign3A_92 = arith.cmpi sgt, %mul3A_70, %sign3A_91 : i32
    %sign3A_93 = arith.extui %sign3A_92 : i1 to i32
    %sign3A_94 = arith.constant 0 : i32
    %sign3A_95 = arith.cmpi slt, %mul3A_70, %sign3A_94 : i32
    %sign3A_96 = arith.extui %sign3A_95 : i1 to i32
    %sign3A_97 = arith.subi %sign3A_93, %sign3A_96 : i32
    %sign3A_98 = arith.constant 0 : i32
    %sign3A_99 = arith.cmpi sgt, %jit3A_89, %sign3A_98 : i32
    %sign3A_100 = arith.extui %sign3A_99 : i1 to i32
    %sign3A_101 = arith.constant 0 : i32
    %sign3A_102 = arith.cmpi slt, %jit3A_89, %sign3A_101 : i32
    %sign3A_103 = arith.extui %sign3A_102 : i1 to i32
    %sign3A_104 = arith.subi %sign3A_100, %sign3A_103 : i32
    %ne3A_105 = arith.cmpi ne, %sign3A_97, %sign3A_104 : i32
    %rem3A_106 = arith.remsi %mul3A_70, %jit3A_89 : i32
    %ne3A_107 = arith.constant 0 : i32
    %ne3A_108 = arith.cmpi ne, %rem3A_106, %ne3A_107 : i32
    %and3A_109 = arith.andi %ne3A_105, %ne3A_108 : i1
    %sub3A_110 = arith.constant 1 : i32
    %sub3A_111 = arith.subi %div3A_90, %sub3A_110 : i32
    %select_n3A_112 = arith.select %and3A_109, %sub3A_111, %div3A_90 : i32
    %mul3A_113 = arith.constant 4096 : i32
    %mul3A_114 = arith.muli %select_n3A_112, %mul3A_113 : i32
    %sub3A_115 = arith.subi %mul3A_70, %mul3A_114 : i32
    %broadcast_in_dim3A_116 = vector.broadcast %add3A_88 : i32 to vector<16xi32>
    %gather3A = tpu.vector_load_idx %arg9[%broadcast_in_dim3A_116] : memref<16xi32, #tpu.memory_space<vmem>>[vector<16xi32>], vector<16xi32>,
    %gt3A = arith.constant 1024 : i32
    %gt3A_117 = vector.broadcast %gt3A : i32 to vector<16xi32>
    %gt3A_118 = arith.cmpi sgt, %gather3A, %gt3A_117 : vector<16xi32>
    %jit3A_119 = arith.constant 0 : i32
    %broadcast_in_dim3A_120 = vector.broadcast %jit3A_119 : i32 to vector<16xi32>
    %select_n3A_121 = arith.select %gt3A_118, %gather3A, %broadcast_in_dim3A_120 : vector<16xi1>, vector<16xi32>
    %rem3A_122 = arith.constant 10 : i32
    %rem3A_123 = arith.remsi %sub3A_115, %rem3A_122 : i32
    %sub3A_124 = arith.constant 10 : i32
    %sub3A_125 = arith.subi %sub3A_124, %rem3A_123 : i32
    %rem3A_126 = arith.constant 10 : i32
    %rem3A_127 = arith.remsi %sub3A_125, %rem3A_126 : i32
    %scan3A = arith.constant 0 : i32
    %scan3A_128 = arith.constant 0 : i32
    %scan3A_129 = arith.constant 13 : i32
    %scan3A_130 = arith.addi %scan3A_128, %scan3A_129 : i32
    %scan3A_131 = arith.constant 1 : i32
    %scan3A_132 = scf.for %scan3A_649 = %scan3A_128 to %scan3A_130 step %scan3A_131 iter_args(%scan3A_650 = %scan3A) -> (i32)  : i32 {
      %mul3A_651 = arith.constant 10 : i32
      %mul3A_652 = arith.muli %mul3A_651, %scan3A_649 : i32
      %add3A_653 = arith.addi %rem3A_127, %mul3A_652 : i32
      %add3A_654 = arith.addi %sub3A_115, %add3A_653 : i32
      %broadcast_in_dim3A_655 = vector.broadcast %add3A_654 : i32 to vector<16xi32>
      %broadcast_in_dim3A_656 = vector.broadcast %add3A_653 : i32 to vector<16xi32>
      %lt3A = arith.constant 128 : i32
      %lt3A_657 = vector.broadcast %lt3A : i32 to vector<16xi32>
      %lt3A_658 = arith.cmpi slt, %broadcast_in_dim3A_656, %lt3A_657 : vector<16xi32>
      %lt3A_659 = arith.cmpi slt, %broadcast_in_dim3A_655, %select_n3A_121 : vector<16xi32>
      %and3A_660 = arith.andi %lt3A_658, %lt3A_659 : vector<16xi1>
      %min3A = arith.constant 127 : i32
      %min3A_661 = arith.minsi %add3A_653, %min3A : i32
      %mul3A_662 = arith.constant 128 : i32
      %mul3A_663 = arith.muli %min3A_661, %mul3A_662 : i32
      %add3A_664 = arith.constant 0 : i32
      %add3A_665 = arith.addi %mul3A_663, %add3A_664 : i32
      %get3A = arith.index_cast %add3A_665 : i32 to index
      %get3A_666 = tpu.vector_load %arg5[%get3A] {strides = array<i32>} : memref<16384xf32, #tpu.memory_space<vmem>>, vector<16xf32>,
      %select_n3A_667 = arith.select %and3A_660, %broadcast_in_dim3A_1, %get3A_666 : vector<16xi1>, vector<16xf32>
      %swap3A = arith.index_cast %add3A_665 : i32 to index
      %swap3A_668 = tpu.vector_load %arg5[%swap3A] {strides = array<i32>} : memref<16384xf32, #tpu.memory_space<vmem>>, vector<16xf32>,
      tpu.vector_store %arg5[%swap3A], %select_n3A_667 {strides = array<i32>} : memref<16384xf32, #tpu.memory_space<vmem>>, vector<16xf32>,
      %add3A_669 = arith.constant 16 : i32
      %add3A_670 = arith.addi %mul3A_663, %add3A_669 : i32
      %get3A_671 = arith.index_cast %add3A_670 : i32 to index
      %get3A_672 = tpu.vector_load %arg5[%get3A_671] {strides = array<i32>} : memref<16384xf32, #tpu.memory_space<vmem>>, vector<16xf32>,
      %select_n3A_673 = arith.select %and3A_660, %broadcast_in_dim3A_1, %get3A_672 : vector<16xi1>, vector<16xf32>
      %swap3A_674 = arith.index_cast %add3A_670 : i32 to index
      %swap3A_675 = tpu.vector_load %arg5[%swap3A_674] {strides = array<i32>} : memref<16384xf32, #tpu.memory_space<vmem>>, vector<16xf32>,
      tpu.vector_store %arg5[%swap3A_674], %select_n3A_673 {strides = array<i32>} : memref<16384xf32, #tpu.memory_space<vmem>>, vector<16xf32>,
      %add3A_676 = arith.constant 32 : i32
      %add3A_677 = arith.addi %mul3A_663, %add3A_676 : i32
      %get3A_678 = arith.index_cast %add3A_677 : i32 to index
      %get3A_679 = tpu.vector_load %arg5[%get3A_678] {strides = array<i32>} : memref<16384xf32, #tpu.memory_space<vmem>>, vector<16xf32>,
      %select_n3A_680 = arith.select %and3A_660, %broadcast_in_dim3A_1, %get3A_679 : vector<16xi1>, vector<16xf32>
      %swap3A_681 = arith.index_cast %add3A_677 : i32 to index
      %swap3A_682 = tpu.vector_load %arg5[%swap3A_681] {strides = array<i32>} : memref<16384xf32, #tpu.memory_space<vmem>>, vector<16xf32>,
      tpu.vector_store %arg5[%swap3A_681], %select_n3A_680 {strides = array<i32>} : memref<16384xf32, #tpu.memory_space<vmem>>, vector<16xf32>,
      %add3A_683 = arith.constant 48 : i32
      %add3A_684 = arith.addi %mul3A_663, %add3A_683 : i32
      %get3A_685 = arith.index_cast %add3A_684 : i32 to index
      %get3A_686 = tpu.vector_load %arg5[%get3A_685] {strides = array<i32>} : memref<16384xf32, #tpu.memory_space<vmem>>, vector<16xf32>,
      %select_n3A_687 = arith.select %and3A_660, %broadcast_in_dim3A_1, %get3A_686 : vector<16xi1>, vector<16xf32>
      %swap3A_688 = arith.index_cast %add3A_684 : i32 to index
      %swap3A_689 = tpu.vector_load %arg5[%swap3A_688] {strides = array<i32>} : memref<16384xf32, #tpu.memory_space<vmem>>, vector<16xf32>,
      tpu.vector_store %arg5[%swap3A_688], %select_n3A_687 {strides = array<i32>} : memref<16384xf32, #tpu.memory_space<vmem>>, vector<16xf32>,
      %add3A_690 = arith.constant 64 : i32
      %add3A_691 = arith.addi %mul3A_663, %add3A_690 : i32
      %get3A_692 = arith.index_cast %add3A_691 : i32 to index
      %get3A_693 = tpu.vector_load %arg5[%get3A_692] {strides = array<i32>} : memref<16384xf32, #tpu.memory_space<vmem>>, vector<16xf32>,
      %select_n3A_694 = arith.select %and3A_660, %broadcast_in_dim3A_1, %get3A_693 : vector<16xi1>, vector<16xf32>
      %swap3A_695 = arith.index_cast %add3A_691 : i32 to index
      %swap3A_696 = tpu.vector_load %arg5[%swap3A_695] {strides = array<i32>} : memref<16384xf32, #tpu.memory_space<vmem>>, vector<16xf32>,
      tpu.vector_store %arg5[%swap3A_695], %select_n3A_694 {strides = array<i32>} : memref<16384xf32, #tpu.memory_space<vmem>>, vector<16xf32>,
      %add3A_697 = arith.constant 80 : i32
      %add3A_698 = arith.addi %mul3A_663, %add3A_697 : i32
      %get3A_699 = arith.index_cast %add3A_698 : i32 to index
      %get3A_700 = tpu.vector_load %arg5[%get3A_699] {strides = array<i32>} : memref<16384xf32, #tpu.memory_space<vmem>>, vector<16xf32>,
      %select_n3A_701 = arith.select %and3A_660, %broadcast_in_dim3A_1, %get3A_700 : vector<16xi1>, vector<16xf32>
      %swap3A_702 = arith.index_cast %add3A_698 : i32 to index
      %swap3A_703 = tpu.vector_load %arg5[%swap3A_702] {strides = array<i32>} : memref<16384xf32, #tpu.memory_space<vmem>>, vector<16xf32>,
      tpu.vector_store %arg5[%swap3A_702], %select_n3A_701 {strides = array<i32>} : memref<16384xf32, #tpu.memory_space<vmem>>, vector<16xf32>,
      %add3A_704 = arith.constant 96 : i32
      %add3A_705 = arith.addi %mul3A_663, %add3A_704 : i32
      %get3A_706 = arith.index_cast %add3A_705 : i32 to index
      %get3A_707 = tpu.vector_load %arg5[%get3A_706] {strides = array<i32>} : memref<16384xf32, #tpu.memory_space<vmem>>, vector<16xf32>,
      %select_n3A_708 = arith.select %and3A_660, %broadcast_in_dim3A_1, %get3A_707 : vector<16xi1>, vector<16xf32>
      %swap3A_709 = arith.index_cast %add3A_705 : i32 to index
      %swap3A_710 = tpu.vector_load %arg5[%swap3A_709] {strides = array<i32>} : memref<16384xf32, #tpu.memory_space<vmem>>, vector<16xf32>,
      tpu.vector_store %arg5[%swap3A_709], %select_n3A_708 {strides = array<i32>} : memref<16384xf32, #tpu.memory_space<vmem>>, vector<16xf32>,
      %add3A_711 = arith.constant 112 : i32
      %add3A_712 = arith.addi %mul3A_663, %add3A_711 : i32
      %get3A_713 = arith.index_cast %add3A_712 : i32 to index
      %get3A_714 = tpu.vector_load %arg5[%get3A_713] {strides = array<i32>} : memref<16384xf32, #tpu.memory_space<vmem>>, vector<16xf32>,
      %select_n3A_715 = arith.select %and3A_660, %broadcast_in_dim3A_1, %get3A_714 : vector<16xi1>, vector<16xf32>
      %swap3A_716 = arith.index_cast %add3A_712 : i32 to index
      %swap3A_717 = tpu.vector_load %arg5[%swap3A_716] {strides = array<i32>} : memref<16384xf32, #tpu.memory_space<vmem>>, vector<16xf32>,
      tpu.vector_store %arg5[%swap3A_716], %select_n3A_715 {strides = array<i32>} : memref<16384xf32, #tpu.memory_space<vmem>>, vector<16xf32>,
      %scan3A_718 = arith.constant 0 : i32
      scf.yield %scan3A_718 : i32
    }
    %scan3A_133 = arith.constant 13 : i32
    %mul3A_134 = arith.constant 5 : i32
    %mul3A_135 = arith.muli %add3A, %mul3A_134 : i32
    %add3A_136 = arith.constant 0 : i32
    %add3A_137 = arith.addi %mul3A_135, %add3A_136 : i32
    %mul3A_138 = arith.constant 128 : i32
    %mul3A_139 = arith.muli %add3A_137, %mul3A_138 : i32
    %mul3A_140 = arith.constant 128 : i32
    %mul3A_141 = arith.muli %mul3A_139, %mul3A_140 : i32
    %dma_start3A_142 = arith.constant 0 : i32
    %dma_start3A_143 = tpu.memref_slice %arg4[%mul3A_141] : memref<2621440xf32, #tpu.memory_space<hbm>> -> memref<16384xf32, #tpu.memory_space<hbm>>
    %dma_start3A_144 = tpu.memref_slice %arg11[%dma_start3A_142] : memref<4x!tpu.dma_semaphore, #tpu.memory_space<semaphore_mem>> -> memref<1x!tpu.dma_semaphore, #tpu.memory_space<semaphore_mem>>
    %dma_start3A_145 = tpu.memref_squeeze %dma_start3A_144 : memref<1x!tpu.dma_semaphore, #tpu.memory_space<semaphore_mem>> -> memref<!tpu.dma_semaphore, #tpu.memory_space<semaphore_mem>>
    %dma_start3A_146 = tpu.memref_slice %arg4[%mul3A_141] : memref<2621440xf32, #tpu.memory_space<hbm>> -> memref<16384xf32, #tpu.memory_space<hbm>>
    tpu.enqueue_dma source(%arg5 : memref<16384xf32, #tpu.memory_space<vmem>>) target(%dma_start3A_146 : memref<16384xf32, #tpu.memory_space<hbm>>) target_semaphore(%dma_start3A_145 : memref<!tpu.dma_semaphore, #tpu.memory_space<semaphore_mem>>)
    %mul3A_147 = arith.constant 5 : i32
    %mul3A_148 = arith.muli %add3A, %mul3A_147 : i32
    %add3A_149 = arith.constant 1 : i32
    %add3A_150 = arith.addi %mul3A_148, %add3A_149 : i32
    %mul3A_151 = arith.constant 128 : i32
    %mul3A_152 = arith.muli %add3A_150, %mul3A_151 : i32
    %mul3A_153 = arith.constant 128 : i32
    %mul3A_154 = arith.muli %mul3A_152, %mul3A_153 : i32
    %dma_wait3A_155 = arith.constant 1 : i32
    %dma_wait3A_156 = tpu.memref_slice %arg2[%mul3A_154] : memref<2621440xf32, #tpu.memory_space<hbm>> -> memref<16384xf32, #tpu.memory_space<hbm>>
    %dma_wait3A_157 = tpu.memref_slice %arg10[%dma_wait3A_155] : memref<4x!tpu.dma_semaphore, #tpu.memory_space<semaphore_mem>> -> memref<1x!tpu.dma_semaphore, #tpu.memory_space<semaphore_mem>>
    %dma_wait3A_158 = tpu.memref_squeeze %dma_wait3A_157 : memref<1x!tpu.dma_semaphore, #tpu.memory_space<semaphore_mem>> -> memref<!tpu.dma_semaphore, #tpu.memory_space<semaphore_mem>>
    %dma_wait3A_159 = tpu.memref_slice %arg2[%mul3A_154] : memref<2621440xf32, #tpu.memory_space<hbm>> -> memref<16384xf32, #tpu.memory_space<hbm>>
    tpu.wait_dma2 semaphore(%dma_wait3A_158 : memref<!tpu.dma_semaphore, #tpu.memory_space<semaphore_mem>>) src(%dma_wait3A_159 : memref<16384xf32, #tpu.memory_space<hbm>>) dst(%arg6 : memref<16384xf32, #tpu.memory_space<vmem>>)
    %mul3A_160 = arith.constant 5 : i32
    %mul3A_161 = arith.muli %add3A, %mul3A_160 : i32
    %add3A_162 = arith.constant 1 : i32
    %add3A_163 = arith.addi %mul3A_161, %add3A_162 : i32
    %mul3A_164 = arith.constant 128 : i32
    %mul3A_165 = arith.muli %add3A_163, %mul3A_164 : i32
    %jit3A_166 = arith.constant 4096 : i32
    %div3A_167 = arith.divsi %mul3A_165, %jit3A_166 : i32
    %sign3A_168 = arith.constant 0 : i32
    %sign3A_169 = arith.cmpi sgt, %mul3A_165, %sign3A_168 : i32
    %sign3A_170 = arith.extui %sign3A_169 : i1 to i32
    %sign3A_171 = arith.constant 0 : i32
    %sign3A_172 = arith.cmpi slt, %mul3A_165, %sign3A_171 : i32
    %sign3A_173 = arith.extui %sign3A_172 : i1 to i32
    %sign3A_174 = arith.subi %sign3A_170, %sign3A_173 : i32
    %sign3A_175 = arith.constant 0 : i32
    %sign3A_176 = arith.cmpi sgt, %jit3A_166, %sign3A_175 : i32
    %sign3A_177 = arith.extui %sign3A_176 : i1 to i32
    %sign3A_178 = arith.constant 0 : i32
    %sign3A_179 = arith.cmpi slt, %jit3A_166, %sign3A_178 : i32
    %sign3A_180 = arith.extui %sign3A_179 : i1 to i32
    %sign3A_181 = arith.subi %sign3A_177, %sign3A_180 : i32
    %ne3A_182 = arith.cmpi ne, %sign3A_174, %sign3A_181 : i32
    %rem3A_183 = arith.remsi %mul3A_165, %jit3A_166 : i32
    %ne3A_184 = arith.constant 0 : i32
    %ne3A_185 = arith.cmpi ne, %rem3A_183, %ne3A_184 : i32
    %and3A_186 = arith.andi %ne3A_182, %ne3A_185 : i1
    %sub3A_187 = arith.constant 1 : i32
    %sub3A_188 = arith.subi %div3A_167, %sub3A_187 : i32
    %select_n3A_189 = arith.select %and3A_186, %sub3A_188, %div3A_167 : i32
    %add3A_190 = arith.constant 11 : i32
    %add3A_191 = arith.addi %add3A_190, %select_n3A_189 : i32
    %jit3A_192 = arith.constant 4096 : i32
    %div3A_193 = arith.divsi %mul3A_165, %jit3A_192 : i32
    %sign3A_194 = arith.constant 0 : i32
    %sign3A_195 = arith.cmpi sgt, %mul3A_165, %sign3A_194 : i32
    %sign3A_196 = arith.extui %sign3A_195 : i1 to i32
    %sign3A_197 = arith.constant 0 : i32
    %sign3A_198 = arith.cmpi slt, %mul3A_165, %sign3A_197 : i32
    %sign3A_199 = arith.extui %sign3A_198 : i1 to i32
    %sign3A_200 = arith.subi %sign3A_196, %sign3A_199 : i32
    %sign3A_201 = arith.constant 0 : i32
    %sign3A_202 = arith.cmpi sgt, %jit3A_192, %sign3A_201 : i32
    %sign3A_203 = arith.extui %sign3A_202 : i1 to i32
    %sign3A_204 = arith.constant 0 : i32
    %sign3A_205 = arith.cmpi slt, %jit3A_192, %sign3A_204 : i32
    %sign3A_206 = arith.extui %sign3A_205 : i1 to i32
    %sign3A_207 = arith.subi %sign3A_203, %sign3A_206 : i32
    %ne3A_208 = arith.cmpi ne, %sign3A_200, %sign3A_207 : i32
    %rem3A_209 = arith.remsi %mul3A_165, %jit3A_192 : i32
    %ne3A_210 = arith.constant 0 : i32
    %ne3A_211 = arith.cmpi ne, %rem3A_209, %ne3A_210 : i32
    %and3A_212 = arith.andi %ne3A_208, %ne3A_211 : i1
    %sub3A_213 = arith.constant 1 : i32
    %sub3A_214 = arith.subi %div3A_193, %sub3A_213 : i32
    %select_n3A_215 = arith.select %and3A_212, %sub3A_214, %div3A_193 : i32
    %mul3A_216 = arith.constant 4096 : i32
    %mul3A_217 = arith.muli %select_n3A_215, %mul3A_216 : i32
    %sub3A_218 = arith.subi %mul3A_165, %mul3A_217 : i32
    %broadcast_in_dim3A_219 = vector.broadcast %add3A_191 : i32 to vector<16xi32>
    %gather3A_220 = tpu.vector_load_idx %arg9[%broadcast_in_dim3A_219] : memref<16xi32, #tpu.memory_space<vmem>>[vector<16xi32>], vector<16xi32>,
    %gt3A_221 = arith.constant 1024 : i32
    %gt3A_222 = vector.broadcast %gt3A_221 : i32 to vector<16xi32>
    %gt3A_223 = arith.cmpi sgt, %gather3A_220, %gt3A_222 : vector<16xi32>
    %jit3A_224 = arith.constant 0 : i32
    %broadcast_in_dim3A_225 = vector.broadcast %jit3A_224 : i32 to vector<16xi32>
    %select_n3A_226 = arith.select %gt3A_223, %gather3A_220, %broadcast_in_dim3A_225 : vector<16xi1>, vector<16xi32>
    %rem3A_227 = arith.constant 10 : i32
    %rem3A_228 = arith.remsi %sub3A_218, %rem3A_227 : i32
    %sub3A_229 = arith.constant 10 : i32
    %sub3A_230 = arith.subi %sub3A_229, %rem3A_228 : i32
    %rem3A_231 = arith.constant 10 : i32
    %rem3A_232 = arith.remsi %sub3A_230, %rem3A_231 : i32
    %scan3A_233 = arith.constant 0 : i32
    %scan3A_234 = arith.constant 0 : i32
    %scan3A_235 = arith.constant 13 : i32
    %scan3A_236 = arith.addi %scan3A_234, %scan3A_235 : i32
    %scan3A_237 = arith.constant 1 : i32
    %scan3A_238 = scf.for %scan3A_649 = %scan3A_234 to %scan3A_236 step %scan3A_237 iter_args(%scan3A_650 = %scan3A_233) -> (i32)  : i32 {
      %mul3A_651 = arith.constant 10 : i32
      %mul3A_652 = arith.muli %mul3A_651, %scan3A_649 : i32
      %add3A_653 = arith.addi %rem3A_232, %mul3A_652 : i32
      %add3A_654 = arith.addi %sub3A_218, %add3A_653 : i32
      %broadcast_in_dim3A_655 = vector.broadcast %add3A_654 : i32 to vector<16xi32>
      %broadcast_in_dim3A_656 = vector.broadcast %add3A_653 : i32 to vector<16xi32>
      %lt3A = arith.constant 128 : i32
      %lt3A_657 = vector.broadcast %lt3A : i32 to vector<16xi32>
      %lt3A_658 = arith.cmpi slt, %broadcast_in_dim3A_656, %lt3A_657 : vector<16xi32>
      %lt3A_659 = arith.cmpi slt, %broadcast_in_dim3A_655, %select_n3A_226 : vector<16xi32>
      %and3A_660 = arith.andi %lt3A_658, %lt3A_659 : vector<16xi1>
      %min3A = arith.constant 127 : i32
      %min3A_661 = arith.minsi %add3A_653, %min3A : i32
      %mul3A_662 = arith.constant 128 : i32
      %mul3A_663 = arith.muli %min3A_661, %mul3A_662 : i32
      %add3A_664 = arith.constant 0 : i32
      %add3A_665 = arith.addi %mul3A_663, %add3A_664 : i32
      %get3A = arith.index_cast %add3A_665 : i32 to index
      %get3A_666 = tpu.vector_load %arg6[%get3A] {strides = array<i32>} : memref<16384xf32, #tpu.memory_space<vmem>>, vector<16xf32>,
      %select_n3A_667 = arith.select %and3A_660, %broadcast_in_dim3A_1, %get3A_666 : vector<16xi1>, vector<16xf32>
      %swap3A = arith.index_cast %add3A_665 : i32 to index
      %swap3A_668 = tpu.vector_load %arg6[%swap3A] {strides = array<i32>} : memref<16384xf32, #tpu.memory_space<vmem>>, vector<16xf32>,
      tpu.vector_store %arg6[%swap3A], %select_n3A_667 {strides = array<i32>} : memref<16384xf32, #tpu.memory_space<vmem>>, vector<16xf32>,
      %add3A_669 = arith.constant 16 : i32
      %add3A_670 = arith.addi %mul3A_663, %add3A_669 : i32
      %get3A_671 = arith.index_cast %add3A_670 : i32 to index
      %get3A_672 = tpu.vector_load %arg6[%get3A_671] {strides = array<i32>} : memref<16384xf32, #tpu.memory_space<vmem>>, vector<16xf32>,
      %select_n3A_673 = arith.select %and3A_660, %broadcast_in_dim3A_1, %get3A_672 : vector<16xi1>, vector<16xf32>
      %swap3A_674 = arith.index_cast %add3A_670 : i32 to index
      %swap3A_675 = tpu.vector_load %arg6[%swap3A_674] {strides = array<i32>} : memref<16384xf32, #tpu.memory_space<vmem>>, vector<16xf32>,
      tpu.vector_store %arg6[%swap3A_674], %select_n3A_673 {strides = array<i32>} : memref<16384xf32, #tpu.memory_space<vmem>>, vector<16xf32>,
      %add3A_676 = arith.constant 32 : i32
      %add3A_677 = arith.addi %mul3A_663, %add3A_676 : i32
      %get3A_678 = arith.index_cast %add3A_677 : i32 to index
      %get3A_679 = tpu.vector_load %arg6[%get3A_678] {strides = array<i32>} : memref<16384xf32, #tpu.memory_space<vmem>>, vector<16xf32>,
      %select_n3A_680 = arith.select %and3A_660, %broadcast_in_dim3A_1, %get3A_679 : vector<16xi1>, vector<16xf32>
      %swap3A_681 = arith.index_cast %add3A_677 : i32 to index
      %swap3A_682 = tpu.vector_load %arg6[%swap3A_681] {strides = array<i32>} : memref<16384xf32, #tpu.memory_space<vmem>>, vector<16xf32>,
      tpu.vector_store %arg6[%swap3A_681], %select_n3A_680 {strides = array<i32>} : memref<16384xf32, #tpu.memory_space<vmem>>, vector<16xf32>,
      %add3A_683 = arith.constant 48 : i32
      %add3A_684 = arith.addi %mul3A_663, %add3A_683 : i32
      %get3A_685 = arith.index_cast %add3A_684 : i32 to index
      %get3A_686 = tpu.vector_load %arg6[%get3A_685] {strides = array<i32>} : memref<16384xf32, #tpu.memory_space<vmem>>, vector<16xf32>,
      %select_n3A_687 = arith.select %and3A_660, %broadcast_in_dim3A_1, %get3A_686 : vector<16xi1>, vector<16xf32>
      %swap3A_688 = arith.index_cast %add3A_684 : i32 to index
      %swap3A_689 = tpu.vector_load %arg6[%swap3A_688] {strides = array<i32>} : memref<16384xf32, #tpu.memory_space<vmem>>, vector<16xf32>,
      tpu.vector_store %arg6[%swap3A_688], %select_n3A_687 {strides = array<i32>} : memref<16384xf32, #tpu.memory_space<vmem>>, vector<16xf32>,
      %add3A_690 = arith.constant 64 : i32
      %add3A_691 = arith.addi %mul3A_663, %add3A_690 : i32
      %get3A_692 = arith.index_cast %add3A_691 : i32 to index
      %get3A_693 = tpu.vector_load %arg6[%get3A_692] {strides = array<i32>} : memref<16384xf32, #tpu.memory_space<vmem>>, vector<16xf32>,
      %select_n3A_694 = arith.select %and3A_660, %broadcast_in_dim3A_1, %get3A_693 : vector<16xi1>, vector<16xf32>
      %swap3A_695 = arith.index_cast %add3A_691 : i32 to index
      %swap3A_696 = tpu.vector_load %arg6[%swap3A_695] {strides = array<i32>} : memref<16384xf32, #tpu.memory_space<vmem>>, vector<16xf32>,
      tpu.vector_store %arg6[%swap3A_695], %select_n3A_694 {strides = array<i32>} : memref<16384xf32, #tpu.memory_space<vmem>>, vector<16xf32>,
      %add3A_697 = arith.constant 80 : i32
      %add3A_698 = arith.addi %mul3A_663, %add3A_697 : i32
      %get3A_699 = arith.index_cast %add3A_698 : i32 to index
      %get3A_700 = tpu.vector_load %arg6[%get3A_699] {strides = array<i32>} : memref<16384xf32, #tpu.memory_space<vmem>>, vector<16xf32>,
      %select_n3A_701 = arith.select %and3A_660, %broadcast_in_dim3A_1, %get3A_700 : vector<16xi1>, vector<16xf32>
      %swap3A_702 = arith.index_cast %add3A_698 : i32 to index
      %swap3A_703 = tpu.vector_load %arg6[%swap3A_702] {strides = array<i32>} : memref<16384xf32, #tpu.memory_space<vmem>>, vector<16xf32>,
      tpu.vector_store %arg6[%swap3A_702], %select_n3A_701 {strides = array<i32>} : memref<16384xf32, #tpu.memory_space<vmem>>, vector<16xf32>,
      %add3A_704 = arith.constant 96 : i32
      %add3A_705 = arith.addi %mul3A_663, %add3A_704 : i32
      %get3A_706 = arith.index_cast %add3A_705 : i32 to index
      %get3A_707 = tpu.vector_load %arg6[%get3A_706] {strides = array<i32>} : memref<16384xf32, #tpu.memory_space<vmem>>, vector<16xf32>,
      %select_n3A_708 = arith.select %and3A_660, %broadcast_in_dim3A_1, %get3A_707 : vector<16xi1>, vector<16xf32>
      %swap3A_709 = arith.index_cast %add3A_705 : i32 to index
      %swap3A_710 = tpu.vector_load %arg6[%swap3A_709] {strides = array<i32>} : memref<16384xf32, #tpu.memory_space<vmem>>, vector<16xf32>,
      tpu.vector_store %arg6[%swap3A_709], %select_n3A_708 {strides = array<i32>} : memref<16384xf32, #tpu.memory_space<vmem>>, vector<16xf32>,
      %add3A_711 = arith.constant 112 : i32
      %add3A_712 = arith.addi %mul3A_663, %add3A_711 : i32
      %get3A_713 = arith.index_cast %add3A_712 : i32 to index
      %get3A_714 = tpu.vector_load %arg6[%get3A_713] {strides = array<i32>} : memref<16384xf32, #tpu.memory_space<vmem>>, vector<16xf32>,
      %select_n3A_715 = arith.select %and3A_660, %broadcast_in_dim3A_1, %get3A_714 : vector<16xi1>, vector<16xf32>
      %swap3A_716 = arith.index_cast %add3A_712 : i32 to index
      %swap3A_717 = tpu.vector_load %arg6[%swap3A_716] {strides = array<i32>} : memref<16384xf32, #tpu.memory_space<vmem>>, vector<16xf32>,
      tpu.vector_store %arg6[%swap3A_716], %select_n3A_715 {strides = array<i32>} : memref<16384xf32, #tpu.memory_space<vmem>>, vector<16xf32>,
      %scan3A_718 = arith.constant 0 : i32
      scf.yield %scan3A_718 : i32
    }
    %scan3A_239 = arith.constant 13 : i32
    %mul3A_240 = arith.constant 5 : i32
    %mul3A_241 = arith.muli %add3A, %mul3A_240 : i32
    %add3A_242 = arith.constant 1 : i32
    %add3A_243 = arith.addi %mul3A_241, %add3A_242 : i32
    %mul3A_244 = arith.constant 128 : i32
    %mul3A_245 = arith.muli %add3A_243, %mul3A_244 : i32
    %mul3A_246 = arith.constant 128 : i32
    %mul3A_247 = arith.muli %mul3A_245, %mul3A_246 : i32
    %dma_start3A_248 = arith.constant 1 : i32
    %dma_start3A_249 = tpu.memref_slice %arg4[%mul3A_247] : memref<2621440xf32, #tpu.memory_space<hbm>> -> memref<16384xf32, #tpu.memory_space<hbm>>
    %dma_start3A_250 = tpu.memref_slice %arg11[%dma_start3A_248] : memref<4x!tpu.dma_semaphore, #tpu.memory_space<semaphore_mem>> -> memref<1x!tpu.dma_semaphore, #tpu.memory_space<semaphore_mem>>
    %dma_start3A_251 = tpu.memref_squeeze %dma_start3A_250 : memref<1x!tpu.dma_semaphore, #tpu.memory_space<semaphore_mem>> -> memref<!tpu.dma_semaphore, #tpu.memory_space<semaphore_mem>>
    %dma_start3A_252 = tpu.memref_slice %arg4[%mul3A_247] : memref<2621440xf32, #tpu.memory_space<hbm>> -> memref<16384xf32, #tpu.memory_space<hbm>>
    tpu.enqueue_dma source(%arg6 : memref<16384xf32, #tpu.memory_space<vmem>>) target(%dma_start3A_252 : memref<16384xf32, #tpu.memory_space<hbm>>) target_semaphore(%dma_start3A_251 : memref<!tpu.dma_semaphore, #tpu.memory_space<semaphore_mem>>)
    %mul3A_253 = arith.constant 5 : i32
    %mul3A_254 = arith.muli %add3A, %mul3A_253 : i32
    %add3A_255 = arith.constant 0 : i32
    %add3A_256 = arith.addi %mul3A_254, %add3A_255 : i32
    %mul3A_257 = arith.constant 128 : i32
    %mul3A_258 = arith.muli %add3A_256, %mul3A_257 : i32
    %mul3A_259 = arith.constant 128 : i32
    %mul3A_260 = arith.muli %mul3A_258, %mul3A_259 : i32
    %dma_wait3A_261 = arith.constant 0 : i32
    %dma_wait3A_262 = tpu.memref_slice %arg4[%mul3A_260] : memref<2621440xf32, #tpu.memory_space<hbm>> -> memref<16384xf32, #tpu.memory_space<hbm>>
    %dma_wait3A_263 = tpu.memref_slice %arg11[%dma_wait3A_261] : memref<4x!tpu.dma_semaphore, #tpu.memory_space<semaphore_mem>> -> memref<1x!tpu.dma_semaphore, #tpu.memory_space<semaphore_mem>>
    %dma_wait3A_264 = tpu.memref_squeeze %dma_wait3A_263 : memref<1x!tpu.dma_semaphore, #tpu.memory_space<semaphore_mem>> -> memref<!tpu.dma_semaphore, #tpu.memory_space<semaphore_mem>>
    %dma_wait3A_265 = tpu.memref_slice %arg4[%mul3A_260] : memref<2621440xf32, #tpu.memory_space<hbm>> -> memref<16384xf32, #tpu.memory_space<hbm>>
    tpu.wait_dma2 semaphore(%dma_wait3A_264 : memref<!tpu.dma_semaphore, #tpu.memory_space<semaphore_mem>>) src(%arg5 : memref<16384xf32, #tpu.memory_space<vmem>>) dst(%dma_wait3A_265 : memref<16384xf32, #tpu.memory_space<hbm>>)
    %mul3A_266 = arith.constant 5 : i32
    %mul3A_267 = arith.muli %add3A, %mul3A_266 : i32
    %add3A_268 = arith.constant 4 : i32
    %add3A_269 = arith.addi %mul3A_267, %add3A_268 : i32
    %mul3A_270 = arith.constant 128 : i32
    %mul3A_271 = arith.muli %add3A_269, %mul3A_270 : i32
    %mul3A_272 = arith.constant 128 : i32
    %mul3A_273 = arith.muli %mul3A_271, %mul3A_272 : i32
    %dma_start3A_274 = arith.constant 0 : i32
    %dma_start3A_275 = tpu.memref_slice %arg2[%mul3A_273] : memref<2621440xf32, #tpu.memory_space<hbm>> -> memref<16384xf32, #tpu.memory_space<hbm>>
    %dma_start3A_276 = tpu.memref_slice %arg10[%dma_start3A_274] : memref<4x!tpu.dma_semaphore, #tpu.memory_space<semaphore_mem>> -> memref<1x!tpu.dma_semaphore, #tpu.memory_space<semaphore_mem>>
    %dma_start3A_277 = tpu.memref_squeeze %dma_start3A_276 : memref<1x!tpu.dma_semaphore, #tpu.memory_space<semaphore_mem>> -> memref<!tpu.dma_semaphore, #tpu.memory_space<semaphore_mem>>
    %dma_start3A_278 = tpu.memref_slice %arg2[%mul3A_273] : memref<2621440xf32, #tpu.memory_space<hbm>> -> memref<16384xf32, #tpu.memory_space<hbm>>
    tpu.enqueue_dma source(%dma_start3A_278 : memref<16384xf32, #tpu.memory_space<hbm>>) target(%arg5 : memref<16384xf32, #tpu.memory_space<vmem>>) target_semaphore(%dma_start3A_277 : memref<!tpu.dma_semaphore, #tpu.memory_space<semaphore_mem>>)
    %mul3A_279 = arith.constant 5 : i32
    %mul3A_280 = arith.muli %add3A, %mul3A_279 : i32
    %add3A_281 = arith.constant 2 : i32
    %add3A_282 = arith.addi %mul3A_280, %add3A_281 : i32
    %mul3A_283 = arith.constant 128 : i32
    %mul3A_284 = arith.muli %add3A_282, %mul3A_283 : i32
    %mul3A_285 = arith.constant 128 : i32
    %mul3A_286 = arith.muli %mul3A_284, %mul3A_285 : i32
    %dma_wait3A_287 = arith.constant 2 : i32
    %dma_wait3A_288 = tpu.memref_slice %arg2[%mul3A_286] : memref<2621440xf32, #tpu.memory_space<hbm>> -> memref<16384xf32, #tpu.memory_space<hbm>>
    %dma_wait3A_289 = tpu.memref_slice %arg10[%dma_wait3A_287] : memref<4x!tpu.dma_semaphore, #tpu.memory_space<semaphore_mem>> -> memref<1x!tpu.dma_semaphore, #tpu.memory_space<semaphore_mem>>
    %dma_wait3A_290 = tpu.memref_squeeze %dma_wait3A_289 : memref<1x!tpu.dma_semaphore, #tpu.memory_space<semaphore_mem>> -> memref<!tpu.dma_semaphore, #tpu.memory_space<semaphore_mem>>
    %dma_wait3A_291 = tpu.memref_slice %arg2[%mul3A_286] : memref<2621440xf32, #tpu.memory_space<hbm>> -> memref<16384xf32, #tpu.memory_space<hbm>>
    tpu.wait_dma2 semaphore(%dma_wait3A_290 : memref<!tpu.dma_semaphore, #tpu.memory_space<semaphore_mem>>) src(%dma_wait3A_291 : memref<16384xf32, #tpu.memory_space<hbm>>) dst(%arg7 : memref<16384xf32, #tpu.memory_space<vmem>>)
    %mul3A_292 = arith.constant 5 : i32
    %mul3A_293 = arith.muli %add3A, %mul3A_292 : i32
    %add3A_294 = arith.constant 2 : i32
    %add3A_295 = arith.addi %mul3A_293, %add3A_294 : i32
    %mul3A_296 = arith.constant 128 : i32
    %mul3A_297 = arith.muli %add3A_295, %mul3A_296 : i32
    %jit3A_298 = arith.constant 4096 : i32
    %div3A_299 = arith.divsi %mul3A_297, %jit3A_298 : i32
    %sign3A_300 = arith.constant 0 : i32
    %sign3A_301 = arith.cmpi sgt, %mul3A_297, %sign3A_300 : i32
    %sign3A_302 = arith.extui %sign3A_301 : i1 to i32
    %sign3A_303 = arith.constant 0 : i32
    %sign3A_304 = arith.cmpi slt, %mul3A_297, %sign3A_303 : i32
    %sign3A_305 = arith.extui %sign3A_304 : i1 to i32
    %sign3A_306 = arith.subi %sign3A_302, %sign3A_305 : i32
    %sign3A_307 = arith.constant 0 : i32
    %sign3A_308 = arith.cmpi sgt, %jit3A_298, %sign3A_307 : i32
    %sign3A_309 = arith.extui %sign3A_308 : i1 to i32
    %sign3A_310 = arith.constant 0 : i32
    %sign3A_311 = arith.cmpi slt, %jit3A_298, %sign3A_310 : i32
    %sign3A_312 = arith.extui %sign3A_311 : i1 to i32
    %sign3A_313 = arith.subi %sign3A_309, %sign3A_312 : i32
    %ne3A_314 = arith.cmpi ne, %sign3A_306, %sign3A_313 : i32
    %rem3A_315 = arith.remsi %mul3A_297, %jit3A_298 : i32
    %ne3A_316 = arith.constant 0 : i32
    %ne3A_317 = arith.cmpi ne, %rem3A_315, %ne3A_316 : i32
    %and3A_318 = arith.andi %ne3A_314, %ne3A_317 : i1
    %sub3A_319 = arith.constant 1 : i32
    %sub3A_320 = arith.subi %div3A_299, %sub3A_319 : i32
    %select_n3A_321 = arith.select %and3A_318, %sub3A_320, %div3A_299 : i32
    %add3A_322 = arith.constant 11 : i32
    %add3A_323 = arith.addi %add3A_322, %select_n3A_321 : i32
    %jit3A_324 = arith.constant 4096 : i32
    %div3A_325 = arith.divsi %mul3A_297, %jit3A_324 : i32
    %sign3A_326 = arith.constant 0 : i32
    %sign3A_327 = arith.cmpi sgt, %mul3A_297, %sign3A_326 : i32
    %sign3A_328 = arith.extui %sign3A_327 : i1 to i32
    %sign3A_329 = arith.constant 0 : i32
    %sign3A_330 = arith.cmpi slt, %mul3A_297, %sign3A_329 : i32
    %sign3A_331 = arith.extui %sign3A_330 : i1 to i32
    %sign3A_332 = arith.subi %sign3A_328, %sign3A_331 : i32
    %sign3A_333 = arith.constant 0 : i32
    %sign3A_334 = arith.cmpi sgt, %jit3A_324, %sign3A_333 : i32
    %sign3A_335 = arith.extui %sign3A_334 : i1 to i32
    %sign3A_336 = arith.constant 0 : i32
    %sign3A_337 = arith.cmpi slt, %jit3A_324, %sign3A_336 : i32
    %sign3A_338 = arith.extui %sign3A_337 : i1 to i32
    %sign3A_339 = arith.subi %sign3A_335, %sign3A_338 : i32
    %ne3A_340 = arith.cmpi ne, %sign3A_332, %sign3A_339 : i32
    %rem3A_341 = arith.remsi %mul3A_297, %jit3A_324 : i32
    %ne3A_342 = arith.constant 0 : i32
    %ne3A_343 = arith.cmpi ne, %rem3A_341, %ne3A_342 : i32
    %and3A_344 = arith.andi %ne3A_340, %ne3A_343 : i1
    %sub3A_345 = arith.constant 1 : i32
    %sub3A_346 = arith.subi %div3A_325, %sub3A_345 : i32
    %select_n3A_347 = arith.select %and3A_344, %sub3A_346, %div3A_325 : i32
    %mul3A_348 = arith.constant 4096 : i32
    %mul3A_349 = arith.muli %select_n3A_347, %mul3A_348 : i32
    %sub3A_350 = arith.subi %mul3A_297, %mul3A_349 : i32
    %broadcast_in_dim3A_351 = vector.broadcast %add3A_323 : i32 to vector<16xi32>
    %gather3A_352 = tpu.vector_load_idx %arg9[%broadcast_in_dim3A_351] : memref<16xi32, #tpu.memory_space<vmem>>[vector<16xi32>], vector<16xi32>,
    %gt3A_353 = arith.constant 1024 : i32
    %gt3A_354 = vector.broadcast %gt3A_353 : i32 to vector<16xi32>
    %gt3A_355 = arith.cmpi sgt, %gather3A_352, %gt3A_354 : vector<16xi32>
    %jit3A_356 = arith.constant 0 : i32
    %broadcast_in_dim3A_357 = vector.broadcast %jit3A_356 : i32 to vector<16xi32>
    %select_n3A_358 = arith.select %gt3A_355, %gather3A_352, %broadcast_in_dim3A_357 : vector<16xi1>, vector<16xi32>
    %rem3A_359 = arith.constant 10 : i32
    %rem3A_360 = arith.remsi %sub3A_350, %rem3A_359 : i32
    %sub3A_361 = arith.constant 10 : i32
    %sub3A_362 = arith.subi %sub3A_361, %rem3A_360 : i32
    %rem3A_363 = arith.constant 10 : i32
    %rem3A_364 = arith.remsi %sub3A_362, %rem3A_363 : i32
    %scan3A_365 = arith.constant 0 : i32
    %scan3A_366 = arith.constant 0 : i32
    %scan3A_367 = arith.constant 13 : i32
    %scan3A_368 = arith.addi %scan3A_366, %scan3A_367 : i32
    %scan3A_369 = arith.constant 1 : i32
    %scan3A_370 = scf.for %scan3A_649 = %scan3A_366 to %scan3A_368 step %scan3A_369 iter_args(%scan3A_650 = %scan3A_365) -> (i32)  : i32 {
      %mul3A_651 = arith.constant 10 : i32
      %mul3A_652 = arith.muli %mul3A_651, %scan3A_649 : i32
      %add3A_653 = arith.addi %rem3A_364, %mul3A_652 : i32
      %add3A_654 = arith.addi %sub3A_350, %add3A_653 : i32
      %broadcast_in_dim3A_655 = vector.broadcast %add3A_654 : i32 to vector<16xi32>
      %broadcast_in_dim3A_656 = vector.broadcast %add3A_653 : i32 to vector<16xi32>
      %lt3A = arith.constant 128 : i32
      %lt3A_657 = vector.broadcast %lt3A : i32 to vector<16xi32>
      %lt3A_658 = arith.cmpi slt, %broadcast_in_dim3A_656, %lt3A_657 : vector<16xi32>
      %lt3A_659 = arith.cmpi slt, %broadcast_in_dim3A_655, %select_n3A_358 : vector<16xi32>
      %and3A_660 = arith.andi %lt3A_658, %lt3A_659 : vector<16xi1>
      %min3A = arith.constant 127 : i32
      %min3A_661 = arith.minsi %add3A_653, %min3A : i32
      %mul3A_662 = arith.constant 128 : i32
      %mul3A_663 = arith.muli %min3A_661, %mul3A_662 : i32
      %add3A_664 = arith.constant 0 : i32
      %add3A_665 = arith.addi %mul3A_663, %add3A_664 : i32
      %get3A = arith.index_cast %add3A_665 : i32 to index
      %get3A_666 = tpu.vector_load %arg7[%get3A] {strides = array<i32>} : memref<16384xf32, #tpu.memory_space<vmem>>, vector<16xf32>,
      %select_n3A_667 = arith.select %and3A_660, %broadcast_in_dim3A_1, %get3A_666 : vector<16xi1>, vector<16xf32>
      %swap3A = arith.index_cast %add3A_665 : i32 to index
      %swap3A_668 = tpu.vector_load %arg7[%swap3A] {strides = array<i32>} : memref<16384xf32, #tpu.memory_space<vmem>>, vector<16xf32>,
      tpu.vector_store %arg7[%swap3A], %select_n3A_667 {strides = array<i32>} : memref<16384xf32, #tpu.memory_space<vmem>>, vector<16xf32>,
      %add3A_669 = arith.constant 16 : i32
      %add3A_670 = arith.addi %mul3A_663, %add3A_669 : i32
      %get3A_671 = arith.index_cast %add3A_670 : i32 to index
      %get3A_672 = tpu.vector_load %arg7[%get3A_671] {strides = array<i32>} : memref<16384xf32, #tpu.memory_space<vmem>>, vector<16xf32>,
      %select_n3A_673 = arith.select %and3A_660, %broadcast_in_dim3A_1, %get3A_672 : vector<16xi1>, vector<16xf32>
      %swap3A_674 = arith.index_cast %add3A_670 : i32 to index
      %swap3A_675 = tpu.vector_load %arg7[%swap3A_674] {strides = array<i32>} : memref<16384xf32, #tpu.memory_space<vmem>>, vector<16xf32>,
      tpu.vector_store %arg7[%swap3A_674], %select_n3A_673 {strides = array<i32>} : memref<16384xf32, #tpu.memory_space<vmem>>, vector<16xf32>,
      %add3A_676 = arith.constant 32 : i32
      %add3A_677 = arith.addi %mul3A_663, %add3A_676 : i32
      %get3A_678 = arith.index_cast %add3A_677 : i32 to index
      %get3A_679 = tpu.vector_load %arg7[%get3A_678] {strides = array<i32>} : memref<16384xf32, #tpu.memory_space<vmem>>, vector<16xf32>,
      %select_n3A_680 = arith.select %and3A_660, %broadcast_in_dim3A_1, %get3A_679 : vector<16xi1>, vector<16xf32>
      %swap3A_681 = arith.index_cast %add3A_677 : i32 to index
      %swap3A_682 = tpu.vector_load %arg7[%swap3A_681] {strides = array<i32>} : memref<16384xf32, #tpu.memory_space<vmem>>, vector<16xf32>,
      tpu.vector_store %arg7[%swap3A_681], %select_n3A_680 {strides = array<i32>} : memref<16384xf32, #tpu.memory_space<vmem>>, vector<16xf32>,
      %add3A_683 = arith.constant 48 : i32
      %add3A_684 = arith.addi %mul3A_663, %add3A_683 : i32
      %get3A_685 = arith.index_cast %add3A_684 : i32 to index
      %get3A_686 = tpu.vector_load %arg7[%get3A_685] {strides = array<i32>} : memref<16384xf32, #tpu.memory_space<vmem>>, vector<16xf32>,
      %select_n3A_687 = arith.select %and3A_660, %broadcast_in_dim3A_1, %get3A_686 : vector<16xi1>, vector<16xf32>
      %swap3A_688 = arith.index_cast %add3A_684 : i32 to index
      %swap3A_689 = tpu.vector_load %arg7[%swap3A_688] {strides = array<i32>} : memref<16384xf32, #tpu.memory_space<vmem>>, vector<16xf32>,
      tpu.vector_store %arg7[%swap3A_688], %select_n3A_687 {strides = array<i32>} : memref<16384xf32, #tpu.memory_space<vmem>>, vector<16xf32>,
      %add3A_690 = arith.constant 64 : i32
      %add3A_691 = arith.addi %mul3A_663, %add3A_690 : i32
      %get3A_692 = arith.index_cast %add3A_691 : i32 to index
      %get3A_693 = tpu.vector_load %arg7[%get3A_692] {strides = array<i32>} : memref<16384xf32, #tpu.memory_space<vmem>>, vector<16xf32>,
      %select_n3A_694 = arith.select %and3A_660, %broadcast_in_dim3A_1, %get3A_693 : vector<16xi1>, vector<16xf32>
      %swap3A_695 = arith.index_cast %add3A_691 : i32 to index
      %swap3A_696 = tpu.vector_load %arg7[%swap3A_695] {strides = array<i32>} : memref<16384xf32, #tpu.memory_space<vmem>>, vector<16xf32>,
      tpu.vector_store %arg7[%swap3A_695], %select_n3A_694 {strides = array<i32>} : memref<16384xf32, #tpu.memory_space<vmem>>, vector<16xf32>,
      %add3A_697 = arith.constant 80 : i32
      %add3A_698 = arith.addi %mul3A_663, %add3A_697 : i32
      %get3A_699 = arith.index_cast %add3A_698 : i32 to index
      %get3A_700 = tpu.vector_load %arg7[%get3A_699] {strides = array<i32>} : memref<16384xf32, #tpu.memory_space<vmem>>, vector<16xf32>,
      %select_n3A_701 = arith.select %and3A_660, %broadcast_in_dim3A_1, %get3A_700 : vector<16xi1>, vector<16xf32>
      %swap3A_702 = arith.index_cast %add3A_698 : i32 to index
      %swap3A_703 = tpu.vector_load %arg7[%swap3A_702] {strides = array<i32>} : memref<16384xf32, #tpu.memory_space<vmem>>, vector<16xf32>,
      tpu.vector_store %arg7[%swap3A_702], %select_n3A_701 {strides = array<i32>} : memref<16384xf32, #tpu.memory_space<vmem>>, vector<16xf32>,
      %add3A_704 = arith.constant 96 : i32
      %add3A_705 = arith.addi %mul3A_663, %add3A_704 : i32
      %get3A_706 = arith.index_cast %add3A_705 : i32 to index
      %get3A_707 = tpu.vector_load %arg7[%get3A_706] {strides = array<i32>} : memref<16384xf32, #tpu.memory_space<vmem>>, vector<16xf32>,
      %select_n3A_708 = arith.select %and3A_660, %broadcast_in_dim3A_1, %get3A_707 : vector<16xi1>, vector<16xf32>
      %swap3A_709 = arith.index_cast %add3A_705 : i32 to index
      %swap3A_710 = tpu.vector_load %arg7[%swap3A_709] {strides = array<i32>} : memref<16384xf32, #tpu.memory_space<vmem>>, vector<16xf32>,
      tpu.vector_store %arg7[%swap3A_709], %select_n3A_708 {strides = array<i32>} : memref<16384xf32, #tpu.memory_space<vmem>>, vector<16xf32>,
      %add3A_711 = arith.constant 112 : i32
      %add3A_712 = arith.addi %mul3A_663, %add3A_711 : i32
      %get3A_713 = arith.index_cast %add3A_712 : i32 to index
      %get3A_714 = tpu.vector_load %arg7[%get3A_713] {strides = array<i32>} : memref<16384xf32, #tpu.memory_space<vmem>>, vector<16xf32>,
      %select_n3A_715 = arith.select %and3A_660, %broadcast_in_dim3A_1, %get3A_714 : vector<16xi1>, vector<16xf32>
      %swap3A_716 = arith.index_cast %add3A_712 : i32 to index
      %swap3A_717 = tpu.vector_load %arg7[%swap3A_716] {strides = array<i32>} : memref<16384xf32, #tpu.memory_space<vmem>>, vector<16xf32>,
      tpu.vector_store %arg7[%swap3A_716], %select_n3A_715 {strides = array<i32>} : memref<16384xf32, #tpu.memory_space<vmem>>, vector<16xf32>,
      %scan3A_718 = arith.constant 0 : i32
      scf.yield %scan3A_718 : i32
    }
    %scan3A_371 = arith.constant 13 : i32
    %mul3A_372 = arith.constant 5 : i32
    %mul3A_373 = arith.muli %add3A, %mul3A_372 : i32
    %add3A_374 = arith.constant 2 : i32
    %add3A_375 = arith.addi %mul3A_373, %add3A_374 : i32
    %mul3A_376 = arith.constant 128 : i32
    %mul3A_377 = arith.muli %add3A_375, %mul3A_376 : i32
    %mul3A_378 = arith.constant 128 : i32
    %mul3A_379 = arith.muli %mul3A_377, %mul3A_378 : i32
    %dma_start3A_380 = arith.constant 2 : i32
    %dma_start3A_381 = tpu.memref_slice %arg4[%mul3A_379] : memref<2621440xf32, #tpu.memory_space<hbm>> -> memref<16384xf32, #tpu.memory_space<hbm>>
    %dma_start3A_382 = tpu.memref_slice %arg11[%dma_start3A_380] : memref<4x!tpu.dma_semaphore, #tpu.memory_space<semaphore_mem>> -> memref<1x!tpu.dma_semaphore, #tpu.memory_space<semaphore_mem>>
    %dma_start3A_383 = tpu.memref_squeeze %dma_start3A_382 : memref<1x!tpu.dma_semaphore, #tpu.memory_space<semaphore_mem>> -> memref<!tpu.dma_semaphore, #tpu.memory_space<semaphore_mem>>
    %dma_start3A_384 = tpu.memref_slice %arg4[%mul3A_379] : memref<2621440xf32, #tpu.memory_space<hbm>> -> memref<16384xf32, #tpu.memory_space<hbm>>
    tpu.enqueue_dma source(%arg7 : memref<16384xf32, #tpu.memory_space<vmem>>) target(%dma_start3A_384 : memref<16384xf32, #tpu.memory_space<hbm>>) target_semaphore(%dma_start3A_383 : memref<!tpu.dma_semaphore, #tpu.memory_space<semaphore_mem>>)
    %mul3A_385 = arith.constant 5 : i32
    %mul3A_386 = arith.muli %add3A, %mul3A_385 : i32
    %add3A_387 = arith.constant 3 : i32
    %add3A_388 = arith.addi %mul3A_386, %add3A_387 : i32
    %mul3A_389 = arith.constant 128 : i32
    %mul3A_390 = arith.muli %add3A_388, %mul3A_389 : i32
    %mul3A_391 = arith.constant 128 : i32
    %mul3A_392 = arith.muli %mul3A_390, %mul3A_391 : i32
    %dma_wait3A_393 = arith.constant 3 : i32
    %dma_wait3A_394 = tpu.memref_slice %arg2[%mul3A_392] : memref<2621440xf32, #tpu.memory_space<hbm>> -> memref<16384xf32, #tpu.memory_space<hbm>>
    %dma_wait3A_395 = tpu.memref_slice %arg10[%dma_wait3A_393] : memref<4x!tpu.dma_semaphore, #tpu.memory_space<semaphore_mem>> -> memref<1x!tpu.dma_semaphore, #tpu.memory_space<semaphore_mem>>
    %dma_wait3A_396 = tpu.memref_squeeze %dma_wait3A_395 : memref<1x!tpu.dma_semaphore, #tpu.memory_space<semaphore_mem>> -> memref<!tpu.dma_semaphore, #tpu.memory_space<semaphore_mem>>
    %dma_wait3A_397 = tpu.memref_slice %arg2[%mul3A_392] : memref<2621440xf32, #tpu.memory_space<hbm>> -> memref<16384xf32, #tpu.memory_space<hbm>>
    tpu.wait_dma2 semaphore(%dma_wait3A_396 : memref<!tpu.dma_semaphore, #tpu.memory_space<semaphore_mem>>) src(%dma_wait3A_397 : memref<16384xf32, #tpu.memory_space<hbm>>) dst(%arg8 : memref<16384xf32, #tpu.memory_space<vmem>>)
    %mul3A_398 = arith.constant 5 : i32
    %mul3A_399 = arith.muli %add3A, %mul3A_398 : i32
    %add3A_400 = arith.constant 3 : i32
    %add3A_401 = arith.addi %mul3A_399, %add3A_400 : i32
    %mul3A_402 = arith.constant 128 : i32
    %mul3A_403 = arith.muli %add3A_401, %mul3A_402 : i32
    %jit3A_404 = arith.constant 4096 : i32
    %div3A_405 = arith.divsi %mul3A_403, %jit3A_404 : i32
    %sign3A_406 = arith.constant 0 : i32
    %sign3A_407 = arith.cmpi sgt, %mul3A_403, %sign3A_406 : i32
    %sign3A_408 = arith.extui %sign3A_407 : i1 to i32
    %sign3A_409 = arith.constant 0 : i32
    %sign3A_410 = arith.cmpi slt, %mul3A_403, %sign3A_409 : i32
    %sign3A_411 = arith.extui %sign3A_410 : i1 to i32
    %sign3A_412 = arith.subi %sign3A_408, %sign3A_411 : i32
    %sign3A_413 = arith.constant 0 : i32
    %sign3A_414 = arith.cmpi sgt, %jit3A_404, %sign3A_413 : i32
    %sign3A_415 = arith.extui %sign3A_414 : i1 to i32
    %sign3A_416 = arith.constant 0 : i32
    %sign3A_417 = arith.cmpi slt, %jit3A_404, %sign3A_416 : i32
    %sign3A_418 = arith.extui %sign3A_417 : i1 to i32
    %sign3A_419 = arith.subi %sign3A_415, %sign3A_418 : i32
    %ne3A_420 = arith.cmpi ne, %sign3A_412, %sign3A_419 : i32
    %rem3A_421 = arith.remsi %mul3A_403, %jit3A_404 : i32
    %ne3A_422 = arith.constant 0 : i32
    %ne3A_423 = arith.cmpi ne, %rem3A_421, %ne3A_422 : i32
    %and3A_424 = arith.andi %ne3A_420, %ne3A_423 : i1
    %sub3A_425 = arith.constant 1 : i32
    %sub3A_426 = arith.subi %div3A_405, %sub3A_425 : i32
    %select_n3A_427 = arith.select %and3A_424, %sub3A_426, %div3A_405 : i32
    %add3A_428 = arith.constant 11 : i32
    %add3A_429 = arith.addi %add3A_428, %select_n3A_427 : i32
    %jit3A_430 = arith.constant 4096 : i32
    %div3A_431 = arith.divsi %mul3A_403, %jit3A_430 : i32
    %sign3A_432 = arith.constant 0 : i32
    %sign3A_433 = arith.cmpi sgt, %mul3A_403, %sign3A_432 : i32
    %sign3A_434 = arith.extui %sign3A_433 : i1 to i32
    %sign3A_435 = arith.constant 0 : i32
    %sign3A_436 = arith.cmpi slt, %mul3A_403, %sign3A_435 : i32
    %sign3A_437 = arith.extui %sign3A_436 : i1 to i32
    %sign3A_438 = arith.subi %sign3A_434, %sign3A_437 : i32
    %sign3A_439 = arith.constant 0 : i32
    %sign3A_440 = arith.cmpi sgt, %jit3A_430, %sign3A_439 : i32
    %sign3A_441 = arith.extui %sign3A_440 : i1 to i32
    %sign3A_442 = arith.constant 0 : i32
    %sign3A_443 = arith.cmpi slt, %jit3A_430, %sign3A_442 : i32
    %sign3A_444 = arith.extui %sign3A_443 : i1 to i32
    %sign3A_445 = arith.subi %sign3A_441, %sign3A_444 : i32
    %ne3A_446 = arith.cmpi ne, %sign3A_438, %sign3A_445 : i32
    %rem3A_447 = arith.remsi %mul3A_403, %jit3A_430 : i32
    %ne3A_448 = arith.constant 0 : i32
    %ne3A_449 = arith.cmpi ne, %rem3A_447, %ne3A_448 : i32
    %and3A_450 = arith.andi %ne3A_446, %ne3A_449 : i1
    %sub3A_451 = arith.constant 1 : i32
    %sub3A_452 = arith.subi %div3A_431, %sub3A_451 : i32
    %select_n3A_453 = arith.select %and3A_450, %sub3A_452, %div3A_431 : i32
    %mul3A_454 = arith.constant 4096 : i32
    %mul3A_455 = arith.muli %select_n3A_453, %mul3A_454 : i32
    %sub3A_456 = arith.subi %mul3A_403, %mul3A_455 : i32
    %broadcast_in_dim3A_457 = vector.broadcast %add3A_429 : i32 to vector<16xi32>
    %gather3A_458 = tpu.vector_load_idx %arg9[%broadcast_in_dim3A_457] : memref<16xi32, #tpu.memory_space<vmem>>[vector<16xi32>], vector<16xi32>,
    %gt3A_459 = arith.constant 1024 : i32
    %gt3A_460 = vector.broadcast %gt3A_459 : i32 to vector<16xi32>
    %gt3A_461 = arith.cmpi sgt, %gather3A_458, %gt3A_460 : vector<16xi32>
    %jit3A_462 = arith.constant 0 : i32
    %broadcast_in_dim3A_463 = vector.broadcast %jit3A_462 : i32 to vector<16xi32>
    %select_n3A_464 = arith.select %gt3A_461, %gather3A_458, %broadcast_in_dim3A_463 : vector<16xi1>, vector<16xi32>
    %rem3A_465 = arith.constant 10 : i32
    %rem3A_466 = arith.remsi %sub3A_456, %rem3A_465 : i32
    %sub3A_467 = arith.constant 10 : i32
    %sub3A_468 = arith.subi %sub3A_467, %rem3A_466 : i32
    %rem3A_469 = arith.constant 10 : i32
    %rem3A_470 = arith.remsi %sub3A_468, %rem3A_469 : i32
    %scan3A_471 = arith.constant 0 : i32
    %scan3A_472 = arith.constant 0 : i32
    %scan3A_473 = arith.constant 13 : i32
    %scan3A_474 = arith.addi %scan3A_472, %scan3A_473 : i32
    %scan3A_475 = arith.constant 1 : i32
    %scan3A_476 = scf.for %scan3A_649 = %scan3A_472 to %scan3A_474 step %scan3A_475 iter_args(%scan3A_650 = %scan3A_471) -> (i32)  : i32 {
      %mul3A_651 = arith.constant 10 : i32
      %mul3A_652 = arith.muli %mul3A_651, %scan3A_649 : i32
      %add3A_653 = arith.addi %rem3A_470, %mul3A_652 : i32
      %add3A_654 = arith.addi %sub3A_456, %add3A_653 : i32
      %broadcast_in_dim3A_655 = vector.broadcast %add3A_654 : i32 to vector<16xi32>
      %broadcast_in_dim3A_656 = vector.broadcast %add3A_653 : i32 to vector<16xi32>
      %lt3A = arith.constant 128 : i32
      %lt3A_657 = vector.broadcast %lt3A : i32 to vector<16xi32>
      %lt3A_658 = arith.cmpi slt, %broadcast_in_dim3A_656, %lt3A_657 : vector<16xi32>
      %lt3A_659 = arith.cmpi slt, %broadcast_in_dim3A_655, %select_n3A_464 : vector<16xi32>
      %and3A_660 = arith.andi %lt3A_658, %lt3A_659 : vector<16xi1>
      %min3A = arith.constant 127 : i32
      %min3A_661 = arith.minsi %add3A_653, %min3A : i32
      %mul3A_662 = arith.constant 128 : i32
      %mul3A_663 = arith.muli %min3A_661, %mul3A_662 : i32
      %add3A_664 = arith.constant 0 : i32
      %add3A_665 = arith.addi %mul3A_663, %add3A_664 : i32
      %get3A = arith.index_cast %add3A_665 : i32 to index
      %get3A_666 = tpu.vector_load %arg8[%get3A] {strides = array<i32>} : memref<16384xf32, #tpu.memory_space<vmem>>, vector<16xf32>,
      %select_n3A_667 = arith.select %and3A_660, %broadcast_in_dim3A_1, %get3A_666 : vector<16xi1>, vector<16xf32>
      %swap3A = arith.index_cast %add3A_665 : i32 to index
      %swap3A_668 = tpu.vector_load %arg8[%swap3A] {strides = array<i32>} : memref<16384xf32, #tpu.memory_space<vmem>>, vector<16xf32>,
      tpu.vector_store %arg8[%swap3A], %select_n3A_667 {strides = array<i32>} : memref<16384xf32, #tpu.memory_space<vmem>>, vector<16xf32>,
      %add3A_669 = arith.constant 16 : i32
      %add3A_670 = arith.addi %mul3A_663, %add3A_669 : i32
      %get3A_671 = arith.index_cast %add3A_670 : i32 to index
      %get3A_672 = tpu.vector_load %arg8[%get3A_671] {strides = array<i32>} : memref<16384xf32, #tpu.memory_space<vmem>>, vector<16xf32>,
      %select_n3A_673 = arith.select %and3A_660, %broadcast_in_dim3A_1, %get3A_672 : vector<16xi1>, vector<16xf32>
      %swap3A_674 = arith.index_cast %add3A_670 : i32 to index
      %swap3A_675 = tpu.vector_load %arg8[%swap3A_674] {strides = array<i32>} : memref<16384xf32, #tpu.memory_space<vmem>>, vector<16xf32>,
      tpu.vector_store %arg8[%swap3A_674], %select_n3A_673 {strides = array<i32>} : memref<16384xf32, #tpu.memory_space<vmem>>, vector<16xf32>,
      %add3A_676 = arith.constant 32 : i32
      %add3A_677 = arith.addi %mul3A_663, %add3A_676 : i32
      %get3A_678 = arith.index_cast %add3A_677 : i32 to index
      %get3A_679 = tpu.vector_load %arg8[%get3A_678] {strides = array<i32>} : memref<16384xf32, #tpu.memory_space<vmem>>, vector<16xf32>,
      %select_n3A_680 = arith.select %and3A_660, %broadcast_in_dim3A_1, %get3A_679 : vector<16xi1>, vector<16xf32>
      %swap3A_681 = arith.index_cast %add3A_677 : i32 to index
      %swap3A_682 = tpu.vector_load %arg8[%swap3A_681] {strides = array<i32>} : memref<16384xf32, #tpu.memory_space<vmem>>, vector<16xf32>,
      tpu.vector_store %arg8[%swap3A_681], %select_n3A_680 {strides = array<i32>} : memref<16384xf32, #tpu.memory_space<vmem>>, vector<16xf32>,
      %add3A_683 = arith.constant 48 : i32
      %add3A_684 = arith.addi %mul3A_663, %add3A_683 : i32
      %get3A_685 = arith.index_cast %add3A_684 : i32 to index
      %get3A_686 = tpu.vector_load %arg8[%get3A_685] {strides = array<i32>} : memref<16384xf32, #tpu.memory_space<vmem>>, vector<16xf32>,
      %select_n3A_687 = arith.select %and3A_660, %broadcast_in_dim3A_1, %get3A_686 : vector<16xi1>, vector<16xf32>
      %swap3A_688 = arith.index_cast %add3A_684 : i32 to index
      %swap3A_689 = tpu.vector_load %arg8[%swap3A_688] {strides = array<i32>} : memref<16384xf32, #tpu.memory_space<vmem>>, vector<16xf32>,
      tpu.vector_store %arg8[%swap3A_688], %select_n3A_687 {strides = array<i32>} : memref<16384xf32, #tpu.memory_space<vmem>>, vector<16xf32>,
      %add3A_690 = arith.constant 64 : i32
      %add3A_691 = arith.addi %mul3A_663, %add3A_690 : i32
      %get3A_692 = arith.index_cast %add3A_691 : i32 to index
      %get3A_693 = tpu.vector_load %arg8[%get3A_692] {strides = array<i32>} : memref<16384xf32, #tpu.memory_space<vmem>>, vector<16xf32>,
      %select_n3A_694 = arith.select %and3A_660, %broadcast_in_dim3A_1, %get3A_693 : vector<16xi1>, vector<16xf32>
      %swap3A_695 = arith.index_cast %add3A_691 : i32 to index
      %swap3A_696 = tpu.vector_load %arg8[%swap3A_695] {strides = array<i32>} : memref<16384xf32, #tpu.memory_space<vmem>>, vector<16xf32>,
      tpu.vector_store %arg8[%swap3A_695], %select_n3A_694 {strides = array<i32>} : memref<16384xf32, #tpu.memory_space<vmem>>, vector<16xf32>,
      %add3A_697 = arith.constant 80 : i32
      %add3A_698 = arith.addi %mul3A_663, %add3A_697 : i32
      %get3A_699 = arith.index_cast %add3A_698 : i32 to index
      %get3A_700 = tpu.vector_load %arg8[%get3A_699] {strides = array<i32>} : memref<16384xf32, #tpu.memory_space<vmem>>, vector<16xf32>,
      %select_n3A_701 = arith.select %and3A_660, %broadcast_in_dim3A_1, %get3A_700 : vector<16xi1>, vector<16xf32>
      %swap3A_702 = arith.index_cast %add3A_698 : i32 to index
      %swap3A_703 = tpu.vector_load %arg8[%swap3A_702] {strides = array<i32>} : memref<16384xf32, #tpu.memory_space<vmem>>, vector<16xf32>,
      tpu.vector_store %arg8[%swap3A_702], %select_n3A_701 {strides = array<i32>} : memref<16384xf32, #tpu.memory_space<vmem>>, vector<16xf32>,
      %add3A_704 = arith.constant 96 : i32
      %add3A_705 = arith.addi %mul3A_663, %add3A_704 : i32
      %get3A_706 = arith.index_cast %add3A_705 : i32 to index
      %get3A_707 = tpu.vector_load %arg8[%get3A_706] {strides = array<i32>} : memref<16384xf32, #tpu.memory_space<vmem>>, vector<16xf32>,
      %select_n3A_708 = arith.select %and3A_660, %broadcast_in_dim3A_1, %get3A_707 : vector<16xi1>, vector<16xf32>
      %swap3A_709 = arith.index_cast %add3A_705 : i32 to index
      %swap3A_710 = tpu.vector_load %arg8[%swap3A_709] {strides = array<i32>} : memref<16384xf32, #tpu.memory_space<vmem>>, vector<16xf32>,
      tpu.vector_store %arg8[%swap3A_709], %select_n3A_708 {strides = array<i32>} : memref<16384xf32, #tpu.memory_space<vmem>>, vector<16xf32>,
      %add3A_711 = arith.constant 112 : i32
      %add3A_712 = arith.addi %mul3A_663, %add3A_711 : i32
      %get3A_713 = arith.index_cast %add3A_712 : i32 to index
      %get3A_714 = tpu.vector_load %arg8[%get3A_713] {strides = array<i32>} : memref<16384xf32, #tpu.memory_space<vmem>>, vector<16xf32>,
      %select_n3A_715 = arith.select %and3A_660, %broadcast_in_dim3A_1, %get3A_714 : vector<16xi1>, vector<16xf32>
      %swap3A_716 = arith.index_cast %add3A_712 : i32 to index
      %swap3A_717 = tpu.vector_load %arg8[%swap3A_716] {strides = array<i32>} : memref<16384xf32, #tpu.memory_space<vmem>>, vector<16xf32>,
      tpu.vector_store %arg8[%swap3A_716], %select_n3A_715 {strides = array<i32>} : memref<16384xf32, #tpu.memory_space<vmem>>, vector<16xf32>,
      %scan3A_718 = arith.constant 0 : i32
      scf.yield %scan3A_718 : i32
    }
    %scan3A_477 = arith.constant 13 : i32
    %mul3A_478 = arith.constant 5 : i32
    %mul3A_479 = arith.muli %add3A, %mul3A_478 : i32
    %add3A_480 = arith.constant 3 : i32
    %add3A_481 = arith.addi %mul3A_479, %add3A_480 : i32
    %mul3A_482 = arith.constant 128 : i32
    %mul3A_483 = arith.muli %add3A_481, %mul3A_482 : i32
    %mul3A_484 = arith.constant 128 : i32
    %mul3A_485 = arith.muli %mul3A_483, %mul3A_484 : i32
    %dma_start3A_486 = arith.constant 3 : i32
    %dma_start3A_487 = tpu.memref_slice %arg4[%mul3A_485] : memref<2621440xf32, #tpu.memory_space<hbm>> -> memref<16384xf32, #tpu.memory_space<hbm>>
    %dma_start3A_488 = tpu.memref_slice %arg11[%dma_start3A_486] : memref<4x!tpu.dma_semaphore, #tpu.memory_space<semaphore_mem>> -> memref<1x!tpu.dma_semaphore, #tpu.memory_space<semaphore_mem>>
    %dma_start3A_489 = tpu.memref_squeeze %dma_start3A_488 : memref<1x!tpu.dma_semaphore, #tpu.memory_space<semaphore_mem>> -> memref<!tpu.dma_semaphore, #tpu.memory_space<semaphore_mem>>
    %dma_start3A_490 = tpu.memref_slice %arg4[%mul3A_485] : memref<2621440xf32, #tpu.memory_space<hbm>> -> memref<16384xf32, #tpu.memory_space<hbm>>
    tpu.enqueue_dma source(%arg8 : memref<16384xf32, #tpu.memory_space<vmem>>) target(%dma_start3A_490 : memref<16384xf32, #tpu.memory_space<hbm>>) target_semaphore(%dma_start3A_489 : memref<!tpu.dma_semaphore, #tpu.memory_space<semaphore_mem>>)
    %mul3A_491 = arith.constant 5 : i32
    %mul3A_492 = arith.muli %add3A, %mul3A_491 : i32
    %add3A_493 = arith.constant 4 : i32
    %add3A_494 = arith.addi %mul3A_492, %add3A_493 : i32
    %mul3A_495 = arith.constant 128 : i32
    %mul3A_496 = arith.muli %add3A_494, %mul3A_495 : i32
    %mul3A_497 = arith.constant 128 : i32
    %mul3A_498 = arith.muli %mul3A_496, %mul3A_497 : i32
    %dma_wait3A_499 = arith.constant 0 : i32
    %dma_wait3A_500 = tpu.memref_slice %arg2[%mul3A_498] : memref<2621440xf32, #tpu.memory_space<hbm>> -> memref<16384xf32, #tpu.memory_space<hbm>>
    %dma_wait3A_501 = tpu.memref_slice %arg10[%dma_wait3A_499] : memref<4x!tpu.dma_semaphore, #tpu.memory_space<semaphore_mem>> -> memref<1x!tpu.dma_semaphore, #tpu.memory_space<semaphore_mem>>
    %dma_wait3A_502 = tpu.memref_squeeze %dma_wait3A_501 : memref<1x!tpu.dma_semaphore, #tpu.memory_space<semaphore_mem>> -> memref<!tpu.dma_semaphore, #tpu.memory_space<semaphore_mem>>
    %dma_wait3A_503 = tpu.memref_slice %arg2[%mul3A_498] : memref<2621440xf32, #tpu.memory_space<hbm>> -> memref<16384xf32, #tpu.memory_space<hbm>>
    tpu.wait_dma2 semaphore(%dma_wait3A_502 : memref<!tpu.dma_semaphore, #tpu.memory_space<semaphore_mem>>) src(%dma_wait3A_503 : memref<16384xf32, #tpu.memory_space<hbm>>) dst(%arg5 : memref<16384xf32, #tpu.memory_space<vmem>>)
    %mul3A_504 = arith.constant 5 : i32
    %mul3A_505 = arith.muli %add3A, %mul3A_504 : i32
    %add3A_506 = arith.constant 4 : i32
    %add3A_507 = arith.addi %mul3A_505, %add3A_506 : i32
    %mul3A_508 = arith.constant 128 : i32
    %mul3A_509 = arith.muli %add3A_507, %mul3A_508 : i32
    %jit3A_510 = arith.constant 4096 : i32
    %div3A_511 = arith.divsi %mul3A_509, %jit3A_510 : i32
    %sign3A_512 = arith.constant 0 : i32
    %sign3A_513 = arith.cmpi sgt, %mul3A_509, %sign3A_512 : i32
    %sign3A_514 = arith.extui %sign3A_513 : i1 to i32
    %sign3A_515 = arith.constant 0 : i32
    %sign3A_516 = arith.cmpi slt, %mul3A_509, %sign3A_515 : i32
    %sign3A_517 = arith.extui %sign3A_516 : i1 to i32
    %sign3A_518 = arith.subi %sign3A_514, %sign3A_517 : i32
    %sign3A_519 = arith.constant 0 : i32
    %sign3A_520 = arith.cmpi sgt, %jit3A_510, %sign3A_519 : i32
    %sign3A_521 = arith.extui %sign3A_520 : i1 to i32
    %sign3A_522 = arith.constant 0 : i32
    %sign3A_523 = arith.cmpi slt, %jit3A_510, %sign3A_522 : i32
    %sign3A_524 = arith.extui %sign3A_523 : i1 to i32
    %sign3A_525 = arith.subi %sign3A_521, %sign3A_524 : i32
    %ne3A_526 = arith.cmpi ne, %sign3A_518, %sign3A_525 : i32
    %rem3A_527 = arith.remsi %mul3A_509, %jit3A_510 : i32
    %ne3A_528 = arith.constant 0 : i32
    %ne3A_529 = arith.cmpi ne, %rem3A_527, %ne3A_528 : i32
    %and3A_530 = arith.andi %ne3A_526, %ne3A_529 : i1
    %sub3A_531 = arith.constant 1 : i32
    %sub3A_532 = arith.subi %div3A_511, %sub3A_531 : i32
    %select_n3A_533 = arith.select %and3A_530, %sub3A_532, %div3A_511 : i32
    %add3A_534 = arith.constant 11 : i32
    %add3A_535 = arith.addi %add3A_534, %select_n3A_533 : i32
    %jit3A_536 = arith.constant 4096 : i32
    %div3A_537 = arith.divsi %mul3A_509, %jit3A_536 : i32
    %sign3A_538 = arith.constant 0 : i32
    %sign3A_539 = arith.cmpi sgt, %mul3A_509, %sign3A_538 : i32
    %sign3A_540 = arith.extui %sign3A_539 : i1 to i32
    %sign3A_541 = arith.constant 0 : i32
    %sign3A_542 = arith.cmpi slt, %mul3A_509, %sign3A_541 : i32
    %sign3A_543 = arith.extui %sign3A_542 : i1 to i32
    %sign3A_544 = arith.subi %sign3A_540, %sign3A_543 : i32
    %sign3A_545 = arith.constant 0 : i32
    %sign3A_546 = arith.cmpi sgt, %jit3A_536, %sign3A_545 : i32
    %sign3A_547 = arith.extui %sign3A_546 : i1 to i32
    %sign3A_548 = arith.constant 0 : i32
    %sign3A_549 = arith.cmpi slt, %jit3A_536, %sign3A_548 : i32
    %sign3A_550 = arith.extui %sign3A_549 : i1 to i32
    %sign3A_551 = arith.subi %sign3A_547, %sign3A_550 : i32
    %ne3A_552 = arith.cmpi ne, %sign3A_544, %sign3A_551 : i32
    %rem3A_553 = arith.remsi %mul3A_509, %jit3A_536 : i32
    %ne3A_554 = arith.constant 0 : i32
    %ne3A_555 = arith.cmpi ne, %rem3A_553, %ne3A_554 : i32
    %and3A_556 = arith.andi %ne3A_552, %ne3A_555 : i1
    %sub3A_557 = arith.constant 1 : i32
    %sub3A_558 = arith.subi %div3A_537, %sub3A_557 : i32
    %select_n3A_559 = arith.select %and3A_556, %sub3A_558, %div3A_537 : i32
    %mul3A_560 = arith.constant 4096 : i32
    %mul3A_561 = arith.muli %select_n3A_559, %mul3A_560 : i32
    %sub3A_562 = arith.subi %mul3A_509, %mul3A_561 : i32
    %broadcast_in_dim3A_563 = vector.broadcast %add3A_535 : i32 to vector<16xi32>
    %gather3A_564 = tpu.vector_load_idx %arg9[%broadcast_in_dim3A_563] : memref<16xi32, #tpu.memory_space<vmem>>[vector<16xi32>], vector<16xi32>,
    %gt3A_565 = arith.constant 1024 : i32
    %gt3A_566 = vector.broadcast %gt3A_565 : i32 to vector<16xi32>
    %gt3A_567 = arith.cmpi sgt, %gather3A_564, %gt3A_566 : vector<16xi32>
    %jit3A_568 = arith.constant 0 : i32
    %broadcast_in_dim3A_569 = vector.broadcast %jit3A_568 : i32 to vector<16xi32>
    %select_n3A_570 = arith.select %gt3A_567, %gather3A_564, %broadcast_in_dim3A_569 : vector<16xi1>, vector<16xi32>
    %rem3A_571 = arith.constant 10 : i32
    %rem3A_572 = arith.remsi %sub3A_562, %rem3A_571 : i32
    %sub3A_573 = arith.constant 10 : i32
    %sub3A_574 = arith.subi %sub3A_573, %rem3A_572 : i32
    %rem3A_575 = arith.constant 10 : i32
    %rem3A_576 = arith.remsi %sub3A_574, %rem3A_575 : i32
    %scan3A_577 = arith.constant 0 : i32
    %scan3A_578 = arith.constant 0 : i32
    %scan3A_579 = arith.constant 13 : i32
    %scan3A_580 = arith.addi %scan3A_578, %scan3A_579 : i32
    %scan3A_581 = arith.constant 1 : i32
    %scan3A_582 = scf.for %scan3A_649 = %scan3A_578 to %scan3A_580 step %scan3A_581 iter_args(%scan3A_650 = %scan3A_577) -> (i32)  : i32 {
      %mul3A_651 = arith.constant 10 : i32
      %mul3A_652 = arith.muli %mul3A_651, %scan3A_649 : i32
      %add3A_653 = arith.addi %rem3A_576, %mul3A_652 : i32
      %add3A_654 = arith.addi %sub3A_562, %add3A_653 : i32
      %broadcast_in_dim3A_655 = vector.broadcast %add3A_654 : i32 to vector<16xi32>
      %broadcast_in_dim3A_656 = vector.broadcast %add3A_653 : i32 to vector<16xi32>
      %lt3A = arith.constant 128 : i32
      %lt3A_657 = vector.broadcast %lt3A : i32 to vector<16xi32>
      %lt3A_658 = arith.cmpi slt, %broadcast_in_dim3A_656, %lt3A_657 : vector<16xi32>
      %lt3A_659 = arith.cmpi slt, %broadcast_in_dim3A_655, %select_n3A_570 : vector<16xi32>
      %and3A_660 = arith.andi %lt3A_658, %lt3A_659 : vector<16xi1>
      %min3A = arith.constant 127 : i32
      %min3A_661 = arith.minsi %add3A_653, %min3A : i32
      %mul3A_662 = arith.constant 128 : i32
      %mul3A_663 = arith.muli %min3A_661, %mul3A_662 : i32
      %add3A_664 = arith.constant 0 : i32
      %add3A_665 = arith.addi %mul3A_663, %add3A_664 : i32
      %get3A = arith.index_cast %add3A_665 : i32 to index
      %get3A_666 = tpu.vector_load %arg5[%get3A] {strides = array<i32>} : memref<16384xf32, #tpu.memory_space<vmem>>, vector<16xf32>,
      %select_n3A_667 = arith.select %and3A_660, %broadcast_in_dim3A_1, %get3A_666 : vector<16xi1>, vector<16xf32>
      %swap3A = arith.index_cast %add3A_665 : i32 to index
      %swap3A_668 = tpu.vector_load %arg5[%swap3A] {strides = array<i32>} : memref<16384xf32, #tpu.memory_space<vmem>>, vector<16xf32>,
      tpu.vector_store %arg5[%swap3A], %select_n3A_667 {strides = array<i32>} : memref<16384xf32, #tpu.memory_space<vmem>>, vector<16xf32>,
      %add3A_669 = arith.constant 16 : i32
      %add3A_670 = arith.addi %mul3A_663, %add3A_669 : i32
      %get3A_671 = arith.index_cast %add3A_670 : i32 to index
      %get3A_672 = tpu.vector_load %arg5[%get3A_671] {strides = array<i32>} : memref<16384xf32, #tpu.memory_space<vmem>>, vector<16xf32>,
      %select_n3A_673 = arith.select %and3A_660, %broadcast_in_dim3A_1, %get3A_672 : vector<16xi1>, vector<16xf32>
      %swap3A_674 = arith.index_cast %add3A_670 : i32 to index
      %swap3A_675 = tpu.vector_load %arg5[%swap3A_674] {strides = array<i32>} : memref<16384xf32, #tpu.memory_space<vmem>>, vector<16xf32>,
      tpu.vector_store %arg5[%swap3A_674], %select_n3A_673 {strides = array<i32>} : memref<16384xf32, #tpu.memory_space<vmem>>, vector<16xf32>,
      %add3A_676 = arith.constant 32 : i32
      %add3A_677 = arith.addi %mul3A_663, %add3A_676 : i32
      %get3A_678 = arith.index_cast %add3A_677 : i32 to index
      %get3A_679 = tpu.vector_load %arg5[%get3A_678] {strides = array<i32>} : memref<16384xf32, #tpu.memory_space<vmem>>, vector<16xf32>,
      %select_n3A_680 = arith.select %and3A_660, %broadcast_in_dim3A_1, %get3A_679 : vector<16xi1>, vector<16xf32>
      %swap3A_681 = arith.index_cast %add3A_677 : i32 to index
      %swap3A_682 = tpu.vector_load %arg5[%swap3A_681] {strides = array<i32>} : memref<16384xf32, #tpu.memory_space<vmem>>, vector<16xf32>,
      tpu.vector_store %arg5[%swap3A_681], %select_n3A_680 {strides = array<i32>} : memref<16384xf32, #tpu.memory_space<vmem>>, vector<16xf32>,
      %add3A_683 = arith.constant 48 : i32
      %add3A_684 = arith.addi %mul3A_663, %add3A_683 : i32
      %get3A_685 = arith.index_cast %add3A_684 : i32 to index
      %get3A_686 = tpu.vector_load %arg5[%get3A_685] {strides = array<i32>} : memref<16384xf32, #tpu.memory_space<vmem>>, vector<16xf32>,
      %select_n3A_687 = arith.select %and3A_660, %broadcast_in_dim3A_1, %get3A_686 : vector<16xi1>, vector<16xf32>
      %swap3A_688 = arith.index_cast %add3A_684 : i32 to index
      %swap3A_689 = tpu.vector_load %arg5[%swap3A_688] {strides = array<i32>} : memref<16384xf32, #tpu.memory_space<vmem>>, vector<16xf32>,
      tpu.vector_store %arg5[%swap3A_688], %select_n3A_687 {strides = array<i32>} : memref<16384xf32, #tpu.memory_space<vmem>>, vector<16xf32>,
      %add3A_690 = arith.constant 64 : i32
      %add3A_691 = arith.addi %mul3A_663, %add3A_690 : i32
      %get3A_692 = arith.index_cast %add3A_691 : i32 to index
      %get3A_693 = tpu.vector_load %arg5[%get3A_692] {strides = array<i32>} : memref<16384xf32, #tpu.memory_space<vmem>>, vector<16xf32>,
      %select_n3A_694 = arith.select %and3A_660, %broadcast_in_dim3A_1, %get3A_693 : vector<16xi1>, vector<16xf32>
      %swap3A_695 = arith.index_cast %add3A_691 : i32 to index
      %swap3A_696 = tpu.vector_load %arg5[%swap3A_695] {strides = array<i32>} : memref<16384xf32, #tpu.memory_space<vmem>>, vector<16xf32>,
      tpu.vector_store %arg5[%swap3A_695], %select_n3A_694 {strides = array<i32>} : memref<16384xf32, #tpu.memory_space<vmem>>, vector<16xf32>,
      %add3A_697 = arith.constant 80 : i32
      %add3A_698 = arith.addi %mul3A_663, %add3A_697 : i32
      %get3A_699 = arith.index_cast %add3A_698 : i32 to index
      %get3A_700 = tpu.vector_load %arg5[%get3A_699] {strides = array<i32>} : memref<16384xf32, #tpu.memory_space<vmem>>, vector<16xf32>,
      %select_n3A_701 = arith.select %and3A_660, %broadcast_in_dim3A_1, %get3A_700 : vector<16xi1>, vector<16xf32>
      %swap3A_702 = arith.index_cast %add3A_698 : i32 to index
      %swap3A_703 = tpu.vector_load %arg5[%swap3A_702] {strides = array<i32>} : memref<16384xf32, #tpu.memory_space<vmem>>, vector<16xf32>,
      tpu.vector_store %arg5[%swap3A_702], %select_n3A_701 {strides = array<i32>} : memref<16384xf32, #tpu.memory_space<vmem>>, vector<16xf32>,
      %add3A_704 = arith.constant 96 : i32
      %add3A_705 = arith.addi %mul3A_663, %add3A_704 : i32
      %get3A_706 = arith.index_cast %add3A_705 : i32 to index
      %get3A_707 = tpu.vector_load %arg5[%get3A_706] {strides = array<i32>} : memref<16384xf32, #tpu.memory_space<vmem>>, vector<16xf32>,
      %select_n3A_708 = arith.select %and3A_660, %broadcast_in_dim3A_1, %get3A_707 : vector<16xi1>, vector<16xf32>
      %swap3A_709 = arith.index_cast %add3A_705 : i32 to index
      %swap3A_710 = tpu.vector_load %arg5[%swap3A_709] {strides = array<i32>} : memref<16384xf32, #tpu.memory_space<vmem>>, vector<16xf32>,
      tpu.vector_store %arg5[%swap3A_709], %select_n3A_708 {strides = array<i32>} : memref<16384xf32, #tpu.memory_space<vmem>>, vector<16xf32>,
      %add3A_711 = arith.constant 112 : i32
      %add3A_712 = arith.addi %mul3A_663, %add3A_711 : i32
      %get3A_713 = arith.index_cast %add3A_712 : i32 to index
      %get3A_714 = tpu.vector_load %arg5[%get3A_713] {strides = array<i32>} : memref<16384xf32, #tpu.memory_space<vmem>>, vector<16xf32>,
      %select_n3A_715 = arith.select %and3A_660, %broadcast_in_dim3A_1, %get3A_714 : vector<16xi1>, vector<16xf32>
      %swap3A_716 = arith.index_cast %add3A_712 : i32 to index
      %swap3A_717 = tpu.vector_load %arg5[%swap3A_716] {strides = array<i32>} : memref<16384xf32, #tpu.memory_space<vmem>>, vector<16xf32>,
      tpu.vector_store %arg5[%swap3A_716], %select_n3A_715 {strides = array<i32>} : memref<16384xf32, #tpu.memory_space<vmem>>, vector<16xf32>,
      %scan3A_718 = arith.constant 0 : i32
      scf.yield %scan3A_718 : i32
    }
    %scan3A_583 = arith.constant 13 : i32
    %mul3A_584 = arith.constant 5 : i32
    %mul3A_585 = arith.muli %add3A, %mul3A_584 : i32
    %add3A_586 = arith.constant 4 : i32
    %add3A_587 = arith.addi %mul3A_585, %add3A_586 : i32
    %mul3A_588 = arith.constant 128 : i32
    %mul3A_589 = arith.muli %add3A_587, %mul3A_588 : i32
    %mul3A_590 = arith.constant 128 : i32
    %mul3A_591 = arith.muli %mul3A_589, %mul3A_590 : i32
    %dma_start3A_592 = arith.constant 0 : i32
    %dma_start3A_593 = tpu.memref_slice %arg4[%mul3A_591] : memref<2621440xf32, #tpu.memory_space<hbm>> -> memref<16384xf32, #tpu.memory_space<hbm>>
    %dma_start3A_594 = tpu.memref_slice %arg11[%dma_start3A_592] : memref<4x!tpu.dma_semaphore, #tpu.memory_space<semaphore_mem>> -> memref<1x!tpu.dma_semaphore, #tpu.memory_space<semaphore_mem>>
    %dma_start3A_595 = tpu.memref_squeeze %dma_start3A_594 : memref<1x!tpu.dma_semaphore, #tpu.memory_space<semaphore_mem>> -> memref<!tpu.dma_semaphore, #tpu.memory_space<semaphore_mem>>
    %dma_start3A_596 = tpu.memref_slice %arg4[%mul3A_591] : memref<2621440xf32, #tpu.memory_space<hbm>> -> memref<16384xf32, #tpu.memory_space<hbm>>
    tpu.enqueue_dma source(%arg5 : memref<16384xf32, #tpu.memory_space<vmem>>) target(%dma_start3A_596 : memref<16384xf32, #tpu.memory_space<hbm>>) target_semaphore(%dma_start3A_595 : memref<!tpu.dma_semaphore, #tpu.memory_space<semaphore_mem>>)
    %mul3A_597 = arith.constant 5 : i32
    %mul3A_598 = arith.muli %add3A, %mul3A_597 : i32
    %add3A_599 = arith.constant 1 : i32
    %add3A_600 = arith.addi %mul3A_598, %add3A_599 : i32
    %mul3A_601 = arith.constant 128 : i32
    %mul3A_602 = arith.muli %add3A_600, %mul3A_601 : i32
    %mul3A_603 = arith.constant 128 : i32
    %mul3A_604 = arith.muli %mul3A_602, %mul3A_603 : i32
    %dma_wait3A_605 = arith.constant 1 : i32
    %dma_wait3A_606 = tpu.memref_slice %arg4[%mul3A_604] : memref<2621440xf32, #tpu.memory_space<hbm>> -> memref<16384xf32, #tpu.memory_space<hbm>>
    %dma_wait3A_607 = tpu.memref_slice %arg11[%dma_wait3A_605] : memref<4x!tpu.dma_semaphore, #tpu.memory_space<semaphore_mem>> -> memref<1x!tpu.dma_semaphore, #tpu.memory_space<semaphore_mem>>
    %dma_wait3A_608 = tpu.memref_squeeze %dma_wait3A_607 : memref<1x!tpu.dma_semaphore, #tpu.memory_space<semaphore_mem>> -> memref<!tpu.dma_semaphore, #tpu.memory_space<semaphore_mem>>
    %dma_wait3A_609 = tpu.memref_slice %arg4[%mul3A_604] : memref<2621440xf32, #tpu.memory_space<hbm>> -> memref<16384xf32, #tpu.memory_space<hbm>>
    tpu.wait_dma2 semaphore(%dma_wait3A_608 : memref<!tpu.dma_semaphore, #tpu.memory_space<semaphore_mem>>) src(%arg6 : memref<16384xf32, #tpu.memory_space<vmem>>) dst(%dma_wait3A_609 : memref<16384xf32, #tpu.memory_space<hbm>>)
    %mul3A_610 = arith.constant 5 : i32
    %mul3A_611 = arith.muli %add3A, %mul3A_610 : i32
    %add3A_612 = arith.constant 2 : i32
    %add3A_613 = arith.addi %mul3A_611, %add3A_612 : i32
    %mul3A_614 = arith.constant 128 : i32
    %mul3A_615 = arith.muli %add3A_613, %mul3A_614 : i32
    %mul3A_616 = arith.constant 128 : i32
    %mul3A_617 = arith.muli %mul3A_615, %mul3A_616 : i32
    %dma_wait3A_618 = arith.constant 2 : i32
    %dma_wait3A_619 = tpu.memref_slice %arg4[%mul3A_617] : memref<2621440xf32, #tpu.memory_space<hbm>> -> memref<16384xf32, #tpu.memory_space<hbm>>
    %dma_wait3A_620 = tpu.memref_slice %arg11[%dma_wait3A_618] : memref<4x!tpu.dma_semaphore, #tpu.memory_space<semaphore_mem>> -> memref<1x!tpu.dma_semaphore, #tpu.memory_space<semaphore_mem>>
    %dma_wait3A_621 = tpu.memref_squeeze %dma_wait3A_620 : memref<1x!tpu.dma_semaphore, #tpu.memory_space<semaphore_mem>> -> memref<!tpu.dma_semaphore, #tpu.memory_space<semaphore_mem>>
    %dma_wait3A_622 = tpu.memref_slice %arg4[%mul3A_617] : memref<2621440xf32, #tpu.memory_space<hbm>> -> memref<16384xf32, #tpu.memory_space<hbm>>
    tpu.wait_dma2 semaphore(%dma_wait3A_621 : memref<!tpu.dma_semaphore, #tpu.memory_space<semaphore_mem>>) src(%arg7 : memref<16384xf32, #tpu.memory_space<vmem>>) dst(%dma_wait3A_622 : memref<16384xf32, #tpu.memory_space<hbm>>)
    %mul3A_623 = arith.constant 5 : i32
    %mul3A_624 = arith.muli %add3A, %mul3A_623 : i32
    %add3A_625 = arith.constant 3 : i32
    %add3A_626 = arith.addi %mul3A_624, %add3A_625 : i32
    %mul3A_627 = arith.constant 128 : i32
    %mul3A_628 = arith.muli %add3A_626, %mul3A_627 : i32
    %mul3A_629 = arith.constant 128 : i32
    %mul3A_630 = arith.muli %mul3A_628, %mul3A_629 : i32
    %dma_wait3A_631 = arith.constant 3 : i32
    %dma_wait3A_632 = tpu.memref_slice %arg4[%mul3A_630] : memref<2621440xf32, #tpu.memory_space<hbm>> -> memref<16384xf32, #tpu.memory_space<hbm>>
    %dma_wait3A_633 = tpu.memref_slice %arg11[%dma_wait3A_631] : memref<4x!tpu.dma_semaphore, #tpu.memory_space<semaphore_mem>> -> memref<1x!tpu.dma_semaphore, #tpu.memory_space<semaphore_mem>>
    %dma_wait3A_634 = tpu.memref_squeeze %dma_wait3A_633 : memref<1x!tpu.dma_semaphore, #tpu.memory_space<semaphore_mem>> -> memref<!tpu.dma_semaphore, #tpu.memory_space<semaphore_mem>>
    %dma_wait3A_635 = tpu.memref_slice %arg4[%mul3A_630] : memref<2621440xf32, #tpu.memory_space<hbm>> -> memref<16384xf32, #tpu.memory_space<hbm>>
    tpu.wait_dma2 semaphore(%dma_wait3A_634 : memref<!tpu.dma_semaphore, #tpu.memory_space<semaphore_mem>>) src(%arg8 : memref<16384xf32, #tpu.memory_space<vmem>>) dst(%dma_wait3A_635 : memref<16384xf32, #tpu.memory_space<hbm>>)
    %mul3A_636 = arith.constant 5 : i32
    %mul3A_637 = arith.muli %add3A, %mul3A_636 : i32
    %add3A_638 = arith.constant 4 : i32
    %add3A_639 = arith.addi %mul3A_637, %add3A_638 : i32
    %mul3A_640 = arith.constant 128 : i32
    %mul3A_641 = arith.muli %add3A_639, %mul3A_640 : i32
    %mul3A_642 = arith.constant 128 : i32
    %mul3A_643 = arith.muli %mul3A_641, %mul3A_642 : i32
    %dma_wait3A_644 = arith.constant 0 : i32
    %dma_wait3A_645 = tpu.memref_slice %arg4[%mul3A_643] : memref<2621440xf32, #tpu.memory_space<hbm>> -> memref<16384xf32, #tpu.memory_space<hbm>>
    %dma_wait3A_646 = tpu.memref_slice %arg11[%dma_wait3A_644] : memref<4x!tpu.dma_semaphore, #tpu.memory_space<semaphore_mem>> -> memref<1x!tpu.dma_semaphore, #tpu.memory_space<semaphore_mem>>
    %dma_wait3A_647 = tpu.memref_squeeze %dma_wait3A_646 : memref<1x!tpu.dma_semaphore, #tpu.memory_space<semaphore_mem>> -> memref<!tpu.dma_semaphore, #tpu.memory_space<semaphore_mem>>
    %dma_wait3A_648 = tpu.memref_slice %arg4[%mul3A_643] : memref<2621440xf32, #tpu.memory_space<hbm>> -> memref<16384xf32, #tpu.memory_space<hbm>>
    tpu.wait_dma2 semaphore(%dma_wait3A_647 : memref<!tpu.dma_semaphore, #tpu.memory_space<semaphore_mem>>) src(%arg5 : memref<16384xf32, #tpu.memory_space<vmem>>) dst(%dma_wait3A_648 : memref<16384xf32, #tpu.memory_space<hbm>>)
    return
  }
}

module attributes {stable_mosaic.version = 14 : i64} {
  func.func @outer(%arg0: i32, %arg1: memref<16xi32, #tpu.memory_space<smem>>, %arg2: memref<1x4096x1xi16, #tpu.memory_space<vmem>>, %arg3: memref<11x4096x128xf32, #tpu.memory_space<hbm>>, %arg4: memref<11x4096x128xf32, #tpu.memory_space<hbm>>) attributes {dimension_semantics = [#tpu.dimension_semantics<arbitrary>], iteration_bounds = array<i64: 1>, scalar_prefetch = 1 : i64, scratch_operands = 0 : i64, tpu.core_type = #tpu.core_type<tc>, window_params = [{pipeline_mode = #tpu.pipeline_mode<synchronous>, transform_indices = @transform_0, window_bounds = array<i64: 1, 4096, 1>}, {}, {}]} {
    "tpu.region"() ({
      %run_scoped3A = memref.alloca() : memref<4x1x4096x128xf32, #tpu.memory_space<vmem>>
      %run_scoped3A_0 = tpu.sem_alloc : memref<4x!tpu.dma_semaphore, #tpu.memory_space<semaphore_mem>>
      %run_scoped3A_1 = memref.alloca() : memref<2x1x4096x128xf32, #tpu.memory_space<vmem>>
      %run_scoped3A_2 = tpu.sem_alloc : memref<2x!tpu.dma_semaphore, #tpu.memory_space<semaphore_mem>>
      %select_n3A = arith.constant true
      %select_n3A_3 = arith.constant 0 : i32
      %select_n3A_4 = arith.constant -1 : i32
      %select_n3A_5 = arith.select %select_n3A, %select_n3A_4, %select_n3A_3 : i32
      %eq3A = arith.constant -1 : i32
      %eq3A_6 = arith.cmpi eq, %select_n3A_5, %eq3A : i32
      %select_n3A_7 = arith.constant 10 : i32
      %select_n3A_8 = arith.select %eq3A_6, %select_n3A_7, %select_n3A_5 : i32
      %add3A = arith.constant 0 : i32
      %add3A_9 = arith.addi %select_n3A_8, %add3A : i32
      %select_n3A_10 = arith.constant true
      %select_n3A_11 = arith.constant 0 : i32
      %select_n3A_12 = arith.constant 1 : i32
      %select_n3A_13 = arith.select %select_n3A_10, %select_n3A_12, %select_n3A_11 : i32
      %eq3A_14 = arith.constant 11 : i32
      %eq3A_15 = arith.cmpi eq, %select_n3A_13, %eq3A_14 : i32
      %select_n3A_16 = arith.constant 0 : i32
      %select_n3A_17 = arith.select %eq3A_15, %select_n3A_16, %select_n3A_13 : i32
      %add3A_18 = arith.constant 0 : i32
      %add3A_19 = arith.addi %select_n3A_17, %add3A_18 : i32
      %add3A_20 = arith.constant 1 : i32
      %add3A_21 = arith.addi %select_n3A_17, %add3A_20 : i32
      %select_n3A_22 = arith.constant true
      %select_n3A_23 = arith.select %select_n3A_22, %add3A_21, %select_n3A_17 : i32
      %eq3A_24 = arith.constant 11 : i32
      %eq3A_25 = arith.cmpi eq, %select_n3A_23, %eq3A_24 : i32
      %select_n3A_26 = arith.constant 0 : i32
      %select_n3A_27 = arith.select %eq3A_25, %select_n3A_26, %select_n3A_23 : i32
      %add3A_28 = arith.constant 0 : i32
      %add3A_29 = arith.addi %select_n3A_27, %add3A_28 : i32
      %add3A_30 = arith.constant 1 : i32
      %add3A_31 = arith.addi %select_n3A_27, %add3A_30 : i32
      %select_n3A_32 = arith.constant true
      %select_n3A_33 = arith.select %select_n3A_32, %add3A_31, %select_n3A_27 : i32
      %eq3A_34 = arith.constant 11 : i32
      %eq3A_35 = arith.cmpi eq, %select_n3A_33, %eq3A_34 : i32
      %select_n3A_36 = arith.constant 0 : i32
      %select_n3A_37 = arith.select %eq3A_35, %select_n3A_36, %select_n3A_33 : i32
      %add3A_38 = arith.constant 0 : i32
      %add3A_39 = arith.addi %select_n3A_37, %add3A_38 : i32
      %add3A_40 = arith.constant 1 : i32
      %add3A_41 = arith.addi %select_n3A_37, %add3A_40 : i32
      %select_n3A_42 = arith.constant true
      %select_n3A_43 = arith.select %select_n3A_42, %add3A_41, %select_n3A_37 : i32
      %eq3A_44 = arith.constant 11 : i32
      %eq3A_45 = arith.cmpi eq, %select_n3A_43, %eq3A_44 : i32
      %select_n3A_46 = arith.constant 0 : i32
      %select_n3A_47 = arith.select %eq3A_45, %select_n3A_46, %select_n3A_43 : i32
      %add3A_48 = arith.constant 0 : i32
      %add3A_49 = arith.addi %select_n3A_47, %add3A_48 : i32
      "tpu.trace_start"() <{level = 10 : i32, message = "ep_initialize_0"}> : () -> ()
      %add3A_50 = arith.constant 0 : i32
      %add3A_51 = arith.constant 0 : i32
      %add3A_52 = arith.addi %add3A_50, %add3A_51 : i32
      %rem3A = arith.constant 0 : i32
      %rem3A_53 = arith.constant 4 : i32
      %rem3A_54 = arith.remui %rem3A, %rem3A_53 : i32
      %mul3A = arith.constant 1 : i32
      %mul3A_55 = arith.muli %mul3A, %add3A_52 : i32
      %dma_start3A = tpu.memref_slice %run_scoped3A_0[%rem3A_54] : memref<4x!tpu.dma_semaphore, #tpu.memory_space<semaphore_mem>> -> memref<1x!tpu.dma_semaphore, #tpu.memory_space<semaphore_mem>>
      %dma_start3A_56 = tpu.memref_squeeze %dma_start3A : memref<1x!tpu.dma_semaphore, #tpu.memory_space<semaphore_mem>> -> memref<!tpu.dma_semaphore, #tpu.memory_space<semaphore_mem>>
      %dma_start3A_57 = arith.constant 0 : i32
      %dma_start3A_58 = arith.constant 0 : i32
      %dma_start3A_59 = arith.constant 0 : i32
      %dma_start3A_60 = tpu.memref_slice %run_scoped3A[%rem3A_54, %dma_start3A_57, %dma_start3A_58, %dma_start3A_59] : memref<4x1x4096x128xf32, #tpu.memory_space<vmem>> -> memref<1x1x4096x128xf32, #tpu.memory_space<vmem>>
      %dma_start3A_61 = tpu.memref_squeeze %dma_start3A_60 : memref<1x1x4096x128xf32, #tpu.memory_space<vmem>> -> memref<1x4096x128xf32, #tpu.memory_space<vmem>>
      %dma_start3A_62 = arith.constant 0 : i32
      %dma_start3A_63 = arith.constant 0 : i32
      %dma_start3A_64 = tpu.memref_slice %arg3[%mul3A_55, %dma_start3A_62, %dma_start3A_63] : memref<11x4096x128xf32, #tpu.memory_space<hbm>> -> memref<1x4096x128xf32, #tpu.memory_space<hbm>>
      tpu.enqueue_dma source(%dma_start3A_64 : memref<1x4096x128xf32, #tpu.memory_space<hbm>>) target(%dma_start3A_61 : memref<1x4096x128xf32, #tpu.memory_space<vmem>>) target_semaphore(%dma_start3A_56 : memref<!tpu.dma_semaphore, #tpu.memory_space<semaphore_mem>>)
      %add3A_65 = arith.constant 0 : i32
      %add3A_66 = arith.constant 1 : i32
      %add3A_67 = arith.addi %add3A_65, %add3A_66 : i32
      %select_n3A_68 = arith.constant true
      %select_n3A_69 = arith.constant 0 : i32
      %select_n3A_70 = arith.select %select_n3A_68, %add3A_67, %select_n3A_69 : i32
      "tpu.trace_stop"() : () -> ()
      "tpu.trace_start"() <{level = 10 : i32, message = "ep_initialize_1"}> : () -> ()
      %add3A_71 = arith.constant 0 : i32
      %add3A_72 = arith.constant 4 : i32
      %add3A_73 = arith.addi %add3A_71, %add3A_72 : i32
      %add3A_74 = arith.constant 1 : i32
      %add3A_75 = arith.addi %select_n3A_70, %add3A_74 : i32
      %lt3A = arith.cmpi ult, %add3A_73, %add3A_75 : i32
      %select_n3A_76 = arith.select %lt3A, %add3A_73, %add3A_75 : i32
      %add3A_77 = arith.constant 0 : i32
      %add3A_78 = arith.constant 1 : i32
      %add3A_79 = arith.addi %add3A_77, %add3A_78 : i32
      %select_n3A_80 = arith.constant true
      %select_n3A_81 = arith.constant 0 : i32
      %select_n3A_82 = arith.select %select_n3A_80, %add3A_79, %select_n3A_81 : i32
      %select_n3A_83 = arith.constant false
      %select_n3A_84 = arith.constant 0 : i32
      %select_n3A_85 = arith.select %select_n3A_83, %select_n3A_84, %select_n3A_82 : i32
      %while3A = arith.constant 0 : i32
      %while3A_86:3 = scf.while (%while3A_183 = %while3A, %while3A_184 = %select_n3A_85, %while3A_185 = %select_n3A_70) : (i32, i32, i32) -> (i32, i32, i32) {
        %lt3A_186 = arith.cmpi ult, %while3A_185, %select_n3A_76 : i32
        %lt3A_187 = arith.constant 11 : i32
        %lt3A_188 = arith.cmpi slt, %while3A_184, %lt3A_187 : i32
        %and3A = arith.constant true
        %and3A_189 = arith.andi %and3A, %lt3A_188 : i1
        %and3A_190 = arith.constant true
        %and3A_191 = arith.andi %and3A_190, %lt3A_186 : i1
        %and3A_192 = arith.andi %and3A_191, %and3A_189 : i1
        scf.condition(%and3A_192) %while3A_183, %while3A_184, %while3A_185 : i32, i32, i32
      } do {
      ^bb0(%while3A_183: i32, %while3A_184: i32, %while3A_185: i32):
        %add3A_186 = arith.constant 0 : i32
        %add3A_187 = arith.addi %while3A_183, %add3A_186 : i32
        %add3A_188 = arith.constant 0 : i32
        %add3A_189 = arith.addi %while3A_184, %add3A_188 : i32
        %ne3A = arith.cmpi ne, %add3A_187, %add3A_189 : i32
        %or3A = arith.constant false
        %or3A_190 = arith.ori %or3A, %ne3A : i1
        %or3A_191 = arith.constant false
        %or3A_192 = arith.ori %or3A_190, %or3A_191 : i1
        %or3A_193 = arith.constant false
        %or3A_194 = arith.ori %or3A_192, %or3A_193 : i1
        %convert_element_type3A = arith.extui %or3A_194 : i1 to i32
        %cond3A = arith.constant 0 : i32
        %cond3A_195 = arith.cmpi ne, %convert_element_type3A, %cond3A : i32
        scf.if %cond3A_195 {
          %rem3A_205 = arith.constant 4 : i32
          %rem3A_206 = arith.remui %while3A_185, %rem3A_205 : i32
          %mul3A_207 = arith.constant 1 : i32
          %mul3A_208 = arith.muli %mul3A_207, %add3A_189 : i32
          %dma_start3A_209 = tpu.memref_slice %run_scoped3A_0[%rem3A_206] : memref<4x!tpu.dma_semaphore, #tpu.memory_space<semaphore_mem>> -> memref<1x!tpu.dma_semaphore, #tpu.memory_space<semaphore_mem>>
          %dma_start3A_210 = tpu.memref_squeeze %dma_start3A_209 : memref<1x!tpu.dma_semaphore, #tpu.memory_space<semaphore_mem>> -> memref<!tpu.dma_semaphore, #tpu.memory_space<semaphore_mem>>
          %dma_start3A_211 = arith.constant 0 : i32
          %dma_start3A_212 = arith.constant 0 : i32
          %dma_start3A_213 = arith.constant 0 : i32
          %dma_start3A_214 = tpu.memref_slice %run_scoped3A[%rem3A_206, %dma_start3A_211, %dma_start3A_212, %dma_start3A_213] : memref<4x1x4096x128xf32, #tpu.memory_space<vmem>> -> memref<1x1x4096x128xf32, #tpu.memory_space<vmem>>
          %dma_start3A_215 = tpu.memref_squeeze %dma_start3A_214 : memref<1x1x4096x128xf32, #tpu.memory_space<vmem>> -> memref<1x4096x128xf32, #tpu.memory_space<vmem>>
          %dma_start3A_216 = arith.constant 0 : i32
          %dma_start3A_217 = arith.constant 0 : i32
          %dma_start3A_218 = tpu.memref_slice %arg3[%mul3A_208, %dma_start3A_216, %dma_start3A_217] : memref<11x4096x128xf32, #tpu.memory_space<hbm>> -> memref<1x4096x128xf32, #tpu.memory_space<hbm>>
          tpu.enqueue_dma source(%dma_start3A_218 : memref<1x4096x128xf32, #tpu.memory_space<hbm>>) target(%dma_start3A_215 : memref<1x4096x128xf32, #tpu.memory_space<vmem>>) target_semaphore(%dma_start3A_210 : memref<!tpu.dma_semaphore, #tpu.memory_space<semaphore_mem>>)
        } else {
        }
        %convert_element_type3A_196 = arith.extui %or3A_194 : i1 to i32
        %add3A_197 = arith.addi %while3A_185, %convert_element_type3A_196 : i32
        %add3A_198 = arith.constant 1 : i32
        %add3A_199 = arith.addi %while3A_184, %add3A_198 : i32
        %select_n3A_200 = arith.constant true
        %select_n3A_201 = arith.select %select_n3A_200, %add3A_199, %while3A_184 : i32
        %select_n3A_202 = arith.constant false
        %select_n3A_203 = arith.constant 0 : i32
        %select_n3A_204 = arith.select %select_n3A_202, %select_n3A_203, %select_n3A_201 : i32
        scf.yield %while3A_184, %select_n3A_204, %add3A_197 : i32, i32, i32
      }
      "tpu.trace_stop"() : () -> ()
      "tpu.trace_start"() <{level = 10 : i32, message = "ep_initialize_2"}> : () -> ()
      %add3A_87 = arith.constant 0 : i32
      %add3A_88 = arith.constant 4 : i32
      %add3A_89 = arith.addi %add3A_87, %add3A_88 : i32
      %add3A_90 = arith.constant 1 : i32
      %add3A_91 = arith.addi %while3A_86#2, %add3A_90 : i32
      %lt3A_92 = arith.cmpi ult, %add3A_89, %add3A_91 : i32
      %select_n3A_93 = arith.select %lt3A_92, %add3A_89, %add3A_91 : i32
      %add3A_94 = arith.constant 1 : i32
      %add3A_95 = arith.addi %while3A_86#0, %add3A_94 : i32
      %select_n3A_96 = arith.constant true
      %select_n3A_97 = arith.select %select_n3A_96, %add3A_95, %while3A_86#0 : i32
      %select_n3A_98 = arith.constant false
      %select_n3A_99 = arith.constant 0 : i32
      %select_n3A_100 = arith.select %select_n3A_98, %select_n3A_99, %select_n3A_97 : i32
      %while3A_101:3 = scf.while (%while3A_183 = %while3A_86#0, %while3A_184 = %select_n3A_100, %while3A_185 = %while3A_86#2) : (i32, i32, i32) -> (i32, i32, i32) {
        %lt3A_186 = arith.cmpi ult, %while3A_185, %select_n3A_93 : i32
        %lt3A_187 = arith.constant 11 : i32
        %lt3A_188 = arith.cmpi slt, %while3A_184, %lt3A_187 : i32
        %and3A = arith.constant true
        %and3A_189 = arith.andi %and3A, %lt3A_188 : i1
        %and3A_190 = arith.constant true
        %and3A_191 = arith.andi %and3A_190, %lt3A_186 : i1
        %and3A_192 = arith.andi %and3A_191, %and3A_189 : i1
        scf.condition(%and3A_192) %while3A_183, %while3A_184, %while3A_185 : i32, i32, i32
      } do {
      ^bb0(%while3A_183: i32, %while3A_184: i32, %while3A_185: i32):
        %add3A_186 = arith.constant 0 : i32
        %add3A_187 = arith.addi %while3A_183, %add3A_186 : i32
        %add3A_188 = arith.constant 0 : i32
        %add3A_189 = arith.addi %while3A_184, %add3A_188 : i32
        %ne3A = arith.cmpi ne, %add3A_187, %add3A_189 : i32
        %or3A = arith.constant false
        %or3A_190 = arith.ori %or3A, %ne3A : i1
        %or3A_191 = arith.constant false
        %or3A_192 = arith.ori %or3A_190, %or3A_191 : i1
        %or3A_193 = arith.constant false
        %or3A_194 = arith.ori %or3A_192, %or3A_193 : i1
        %convert_element_type3A = arith.extui %or3A_194 : i1 to i32
        %cond3A = arith.constant 0 : i32
        %cond3A_195 = arith.cmpi ne, %convert_element_type3A, %cond3A : i32
        scf.if %cond3A_195 {
          %rem3A_205 = arith.constant 4 : i32
          %rem3A_206 = arith.remui %while3A_185, %rem3A_205 : i32
          %mul3A_207 = arith.constant 1 : i32
          %mul3A_208 = arith.muli %mul3A_207, %add3A_189 : i32
          %dma_start3A_209 = tpu.memref_slice %run_scoped3A_0[%rem3A_206] : memref<4x!tpu.dma_semaphore, #tpu.memory_space<semaphore_mem>> -> memref<1x!tpu.dma_semaphore, #tpu.memory_space<semaphore_mem>>
          %dma_start3A_210 = tpu.memref_squeeze %dma_start3A_209 : memref<1x!tpu.dma_semaphore, #tpu.memory_space<semaphore_mem>> -> memref<!tpu.dma_semaphore, #tpu.memory_space<semaphore_mem>>
          %dma_start3A_211 = arith.constant 0 : i32
          %dma_start3A_212 = arith.constant 0 : i32
          %dma_start3A_213 = arith.constant 0 : i32
          %dma_start3A_214 = tpu.memref_slice %run_scoped3A[%rem3A_206, %dma_start3A_211, %dma_start3A_212, %dma_start3A_213] : memref<4x1x4096x128xf32, #tpu.memory_space<vmem>> -> memref<1x1x4096x128xf32, #tpu.memory_space<vmem>>
          %dma_start3A_215 = tpu.memref_squeeze %dma_start3A_214 : memref<1x1x4096x128xf32, #tpu.memory_space<vmem>> -> memref<1x4096x128xf32, #tpu.memory_space<vmem>>
          %dma_start3A_216 = arith.constant 0 : i32
          %dma_start3A_217 = arith.constant 0 : i32
          %dma_start3A_218 = tpu.memref_slice %arg3[%mul3A_208, %dma_start3A_216, %dma_start3A_217] : memref<11x4096x128xf32, #tpu.memory_space<hbm>> -> memref<1x4096x128xf32, #tpu.memory_space<hbm>>
          tpu.enqueue_dma source(%dma_start3A_218 : memref<1x4096x128xf32, #tpu.memory_space<hbm>>) target(%dma_start3A_215 : memref<1x4096x128xf32, #tpu.memory_space<vmem>>) target_semaphore(%dma_start3A_210 : memref<!tpu.dma_semaphore, #tpu.memory_space<semaphore_mem>>)
        } else {
        }
        %convert_element_type3A_196 = arith.extui %or3A_194 : i1 to i32
        %add3A_197 = arith.addi %while3A_185, %convert_element_type3A_196 : i32
        %add3A_198 = arith.constant 1 : i32
        %add3A_199 = arith.addi %while3A_184, %add3A_198 : i32
        %select_n3A_200 = arith.constant true
        %select_n3A_201 = arith.select %select_n3A_200, %add3A_199, %while3A_184 : i32
        %select_n3A_202 = arith.constant false
        %select_n3A_203 = arith.constant 0 : i32
        %select_n3A_204 = arith.select %select_n3A_202, %select_n3A_203, %select_n3A_201 : i32
        scf.yield %while3A_184, %select_n3A_204, %add3A_197 : i32, i32, i32
      }
      "tpu.trace_stop"() : () -> ()
      %scan3A = arith.constant 0 : i32
      %scan3A_102 = arith.constant 0 : i32
      %scan3A_103 = arith.constant 0 : i32
      %scan3A_104 = arith.constant 0 : i32
      %scan3A_105 = arith.constant 0 : i32
      %scan3A_106 = arith.constant 11 : i32
      %scan3A_107 = arith.addi %scan3A_105, %scan3A_106 : i32
      %scan3A_108 = arith.constant 1 : i32
      %scan3A_109:6 = scf.for %scan3A_183 = %scan3A_105 to %scan3A_107 step %scan3A_108 iter_args(%scan3A_184 = %while3A_101#2, %scan3A_185 = %scan3A, %scan3A_186 = %while3A_101#0, %scan3A_187 = %scan3A_102, %scan3A_188 = %scan3A_103, %scan3A_189 = %scan3A_104) -> (i32, i32, i32, i32, i32, i32)  : i32 {
        %eq3A_190 = arith.constant 0 : i32
        %eq3A_191 = arith.cmpi eq, %scan3A_183, %eq3A_190 : i32
        %eq3A_192 = arith.constant 10 : i32
        %eq3A_193 = arith.cmpi eq, %scan3A_183, %eq3A_192 : i32
        %add3A_194 = arith.constant 0 : i32
        %add3A_195 = arith.addi %scan3A_189, %add3A_194 : i32
        %sub3A_196 = arith.constant 1 : i32
        %sub3A_197 = arith.subi %scan3A_189, %sub3A_196 : i32
        %select_n3A_198 = arith.constant true
        %select_n3A_199 = arith.select %select_n3A_198, %sub3A_197, %scan3A_189 : i32
        %eq3A_200 = arith.constant -1 : i32
        %eq3A_201 = arith.cmpi eq, %select_n3A_199, %eq3A_200 : i32
        %select_n3A_202 = arith.constant 10 : i32
        %select_n3A_203 = arith.select %eq3A_201, %select_n3A_202, %select_n3A_199 : i32
        %add3A_204 = arith.constant 0 : i32
        %add3A_205 = arith.addi %select_n3A_203, %add3A_204 : i32
        %add3A_206 = arith.constant 1 : i32
        %add3A_207 = arith.addi %scan3A_189, %add3A_206 : i32
        %select_n3A_208 = arith.constant true
        %select_n3A_209 = arith.select %select_n3A_208, %add3A_207, %scan3A_189 : i32
        %eq3A_210 = arith.constant 11 : i32
        %eq3A_211 = arith.cmpi eq, %select_n3A_209, %eq3A_210 : i32
        %select_n3A_212 = arith.constant 0 : i32
        %select_n3A_213 = arith.select %eq3A_211, %select_n3A_212, %select_n3A_209 : i32
        %add3A_214 = arith.constant 0 : i32
        %add3A_215 = arith.addi %select_n3A_213, %add3A_214 : i32
        %add3A_216 = arith.constant 1 : i32
        %add3A_217 = arith.addi %select_n3A_213, %add3A_216 : i32
        %select_n3A_218 = arith.constant true
        %select_n3A_219 = arith.select %select_n3A_218, %add3A_217, %select_n3A_213 : i32
        %eq3A_220 = arith.constant 11 : i32
        %eq3A_221 = arith.cmpi eq, %select_n3A_219, %eq3A_220 : i32
        %select_n3A_222 = arith.constant 0 : i32
        %select_n3A_223 = arith.select %eq3A_221, %select_n3A_222, %select_n3A_219 : i32
        %add3A_224 = arith.constant 0 : i32
        %add3A_225 = arith.addi %select_n3A_223, %add3A_224 : i32
        %add3A_226 = arith.constant 1 : i32
        %add3A_227 = arith.addi %select_n3A_223, %add3A_226 : i32
        %select_n3A_228 = arith.constant true
        %select_n3A_229 = arith.select %select_n3A_228, %add3A_227, %select_n3A_223 : i32
        %eq3A_230 = arith.constant 11 : i32
        %eq3A_231 = arith.cmpi eq, %select_n3A_229, %eq3A_230 : i32
        %select_n3A_232 = arith.constant 0 : i32
        %select_n3A_233 = arith.select %eq3A_231, %select_n3A_232, %select_n3A_229 : i32
        %add3A_234 = arith.constant 0 : i32
        %add3A_235 = arith.addi %select_n3A_233, %add3A_234 : i32
        %add3A_236 = arith.constant 1 : i32
        %add3A_237 = arith.addi %select_n3A_233, %add3A_236 : i32
        %select_n3A_238 = arith.constant true
        %select_n3A_239 = arith.select %select_n3A_238, %add3A_237, %select_n3A_233 : i32
        %eq3A_240 = arith.constant 11 : i32
        %eq3A_241 = arith.cmpi eq, %select_n3A_239, %eq3A_240 : i32
        %select_n3A_242 = arith.constant 0 : i32
        %select_n3A_243 = arith.select %eq3A_241, %select_n3A_242, %select_n3A_239 : i32
        %add3A_244 = arith.constant 0 : i32
        %add3A_245 = arith.addi %select_n3A_243, %add3A_244 : i32
        %ne3A = arith.cmpi ne, %add3A_225, %add3A_235 : i32
        %or3A = arith.constant false
        %or3A_246 = arith.ori %or3A, %ne3A : i1
        %or3A_247 = arith.constant false
        %or3A_248 = arith.ori %or3A_246, %or3A_247 : i1
        %or3A_249 = arith.constant false
        %or3A_250 = arith.ori %or3A_248, %or3A_249 : i1
        %ge3A = arith.constant 8 : i32
        %ge3A_251 = arith.cmpi sge, %scan3A_183, %ge3A : i32
        %not3A = arith.constant true
        %not3A_252 = arith.xori %ge3A_251, %not3A : i1
        %and3A = arith.andi %or3A_250, %not3A_252 : i1
        %add3A_253 = arith.constant 4 : i32
        %add3A_254 = arith.addi %scan3A_185, %add3A_253 : i32
        %add3A_255 = arith.constant 1 : i32
        %add3A_256 = arith.addi %scan3A_186, %add3A_255 : i32
        %select_n3A_257 = arith.constant true
        %select_n3A_258 = arith.select %select_n3A_257, %add3A_256, %scan3A_186 : i32
        %select_n3A_259 = arith.constant false
        %select_n3A_260 = arith.constant 0 : i32
        %select_n3A_261 = arith.select %select_n3A_259, %select_n3A_260, %select_n3A_258 : i32
        %while3A_262:3 = scf.while (%while3A_415 = %scan3A_186, %while3A_416 = %select_n3A_261, %while3A_417 = %scan3A_184) : (i32, i32, i32) -> (i32, i32, i32) {
          %lt3A_418 = arith.cmpi ult, %while3A_417, %add3A_254 : i32
          %lt3A_419 = arith.constant 11 : i32
          %lt3A_420 = arith.cmpi slt, %while3A_416, %lt3A_419 : i32
          %and3A_421 = arith.constant true
          %and3A_422 = arith.andi %and3A_421, %lt3A_420 : i1
          %and3A_423 = arith.constant true
          %and3A_424 = arith.andi %and3A_423, %lt3A_418 : i1
          %and3A_425 = arith.andi %and3A_424, %and3A_422 : i1
          scf.condition(%and3A_425) %while3A_415, %while3A_416, %while3A_417 : i32, i32, i32
        } do {
        ^bb0(%while3A_415: i32, %while3A_416: i32, %while3A_417: i32):
          %add3A_418 = arith.constant 0 : i32
          %add3A_419 = arith.addi %while3A_415, %add3A_418 : i32
          %add3A_420 = arith.constant 0 : i32
          %add3A_421 = arith.addi %while3A_416, %add3A_420 : i32
          %ne3A_422 = arith.cmpi ne, %add3A_419, %add3A_421 : i32
          %or3A_423 = arith.constant false
          %or3A_424 = arith.ori %or3A_423, %ne3A_422 : i1
          %or3A_425 = arith.constant false
          %or3A_426 = arith.ori %or3A_424, %or3A_425 : i1
          %or3A_427 = arith.constant false
          %or3A_428 = arith.ori %or3A_426, %or3A_427 : i1
          %convert_element_type3A_429 = arith.extui %or3A_428 : i1 to i32
          %cond3A_430 = arith.constant 0 : i32
          %cond3A_431 = arith.cmpi ne, %convert_element_type3A_429, %cond3A_430 : i32
          scf.if %cond3A_431 {
            %rem3A_441 = arith.constant 4 : i32
            %rem3A_442 = arith.remui %while3A_417, %rem3A_441 : i32
            %mul3A_443 = arith.constant 1 : i32
            %mul3A_444 = arith.muli %mul3A_443, %add3A_421 : i32
            %dma_start3A_445 = tpu.memref_slice %run_scoped3A_0[%rem3A_442] : memref<4x!tpu.dma_semaphore, #tpu.memory_space<semaphore_mem>> -> memref<1x!tpu.dma_semaphore, #tpu.memory_space<semaphore_mem>>
            %dma_start3A_446 = tpu.memref_squeeze %dma_start3A_445 : memref<1x!tpu.dma_semaphore, #tpu.memory_space<semaphore_mem>> -> memref<!tpu.dma_semaphore, #tpu.memory_space<semaphore_mem>>
            %dma_start3A_447 = arith.constant 0 : i32
            %dma_start3A_448 = arith.constant 0 : i32
            %dma_start3A_449 = arith.constant 0 : i32
            %dma_start3A_450 = tpu.memref_slice %run_scoped3A[%rem3A_442, %dma_start3A_447, %dma_start3A_448, %dma_start3A_449] : memref<4x1x4096x128xf32, #tpu.memory_space<vmem>> -> memref<1x1x4096x128xf32, #tpu.memory_space<vmem>>
            %dma_start3A_451 = tpu.memref_squeeze %dma_start3A_450 : memref<1x1x4096x128xf32, #tpu.memory_space<vmem>> -> memref<1x4096x128xf32, #tpu.memory_space<vmem>>
            %dma_start3A_452 = arith.constant 0 : i32
            %dma_start3A_453 = arith.constant 0 : i32
            %dma_start3A_454 = tpu.memref_slice %arg3[%mul3A_444, %dma_start3A_452, %dma_start3A_453] : memref<11x4096x128xf32, #tpu.memory_space<hbm>> -> memref<1x4096x128xf32, #tpu.memory_space<hbm>>
            tpu.enqueue_dma source(%dma_start3A_454 : memref<1x4096x128xf32, #tpu.memory_space<hbm>>) target(%dma_start3A_451 : memref<1x4096x128xf32, #tpu.memory_space<vmem>>) target_semaphore(%dma_start3A_446 : memref<!tpu.dma_semaphore, #tpu.memory_space<semaphore_mem>>)
          } else {
          }
          %convert_element_type3A_432 = arith.extui %or3A_428 : i1 to i32
          %add3A_433 = arith.addi %while3A_417, %convert_element_type3A_432 : i32
          %add3A_434 = arith.constant 1 : i32
          %add3A_435 = arith.addi %while3A_416, %add3A_434 : i32
          %select_n3A_436 = arith.constant true
          %select_n3A_437 = arith.select %select_n3A_436, %add3A_435, %while3A_416 : i32
          %select_n3A_438 = arith.constant false
          %select_n3A_439 = arith.constant 0 : i32
          %select_n3A_440 = arith.select %select_n3A_438, %select_n3A_439, %select_n3A_437 : i32
          scf.yield %while3A_416, %select_n3A_440, %add3A_433 : i32, i32, i32
        }
        %ne3A_263 = arith.cmpi ne, %add3A_195, %add3A_215 : i32
        %or3A_264 = arith.constant false
        %or3A_265 = arith.ori %or3A_264, %ne3A_263 : i1
        %or3A_266 = arith.constant false
        %or3A_267 = arith.ori %or3A_265, %or3A_266 : i1
        %or3A_268 = arith.constant false
        %or3A_269 = arith.ori %or3A_267, %or3A_268 : i1
        %ge3A_270 = arith.constant 10 : i32
        %ge3A_271 = arith.cmpi sge, %scan3A_183, %ge3A_270 : i32
        %not3A_272 = arith.constant true
        %not3A_273 = arith.xori %ge3A_271, %not3A_272 : i1
        %and3A_274 = arith.andi %or3A_269, %not3A_273 : i1
        %ne3A_275 = arith.cmpi ne, %add3A_195, %add3A_205 : i32
        %or3A_276 = arith.constant false
        %or3A_277 = arith.ori %or3A_276, %ne3A_275 : i1
        %or3A_278 = arith.constant false
        %or3A_279 = arith.ori %or3A_277, %or3A_278 : i1
        %or3A_280 = arith.constant false
        %or3A_281 = arith.ori %or3A_279, %or3A_280 : i1
        %or3A_282 = arith.ori %or3A_281, %eq3A_191 : i1
        %convert_element_type3A = arith.extui %or3A_282 : i1 to i32
        %cond3A = arith.constant 0 : i32
        %cond3A_283 = arith.cmpi ne, %convert_element_type3A, %cond3A : i32
        scf.if %cond3A_283 {
          "tpu.trace_start"() <{level = 10 : i32, message = "ep_wait_in"}> : () -> ()
          %mul3A_415 = arith.constant 1 : i32
          %mul3A_416 = arith.muli %mul3A_415, %add3A_195 : i32
          %rem3A_417 = arith.constant 4 : i32
          %rem3A_418 = arith.remui %scan3A_185, %rem3A_417 : i32
          %dma_wait3A_419 = tpu.memref_slice %run_scoped3A_0[%rem3A_418] : memref<4x!tpu.dma_semaphore, #tpu.memory_space<semaphore_mem>> -> memref<1x!tpu.dma_semaphore, #tpu.memory_space<semaphore_mem>>
          %dma_wait3A_420 = tpu.memref_squeeze %dma_wait3A_419 : memref<1x!tpu.dma_semaphore, #tpu.memory_space<semaphore_mem>> -> memref<!tpu.dma_semaphore, #tpu.memory_space<semaphore_mem>>
          %dma_wait3A_421 = arith.constant 0 : i32
          %dma_wait3A_422 = arith.constant 0 : i32
          %dma_wait3A_423 = arith.constant 0 : i32
          %dma_wait3A_424 = tpu.memref_slice %run_scoped3A[%rem3A_418, %dma_wait3A_421, %dma_wait3A_422, %dma_wait3A_423] : memref<4x1x4096x128xf32, #tpu.memory_space<vmem>> -> memref<1x1x4096x128xf32, #tpu.memory_space<vmem>>
          %dma_wait3A_425 = tpu.memref_squeeze %dma_wait3A_424 : memref<1x1x4096x128xf32, #tpu.memory_space<vmem>> -> memref<1x4096x128xf32, #tpu.memory_space<vmem>>
          %dma_wait3A_426 = arith.constant 0 : i32
          %dma_wait3A_427 = arith.constant 0 : i32
          %dma_wait3A_428 = tpu.memref_slice %arg3[%mul3A_416, %dma_wait3A_426, %dma_wait3A_427] : memref<11x4096x128xf32, #tpu.memory_space<hbm>> -> memref<1x4096x128xf32, #tpu.memory_space<hbm>>
          tpu.wait_dma2 semaphore(%dma_wait3A_420 : memref<!tpu.dma_semaphore, #tpu.memory_space<semaphore_mem>>) src(%dma_wait3A_428 : memref<1x4096x128xf32, #tpu.memory_space<hbm>>) dst(%dma_wait3A_425 : memref<1x4096x128xf32, #tpu.memory_space<vmem>>)
          "tpu.trace_stop"() : () -> ()
        } else {
        }
        %ne3A_284 = arith.cmpi ne, %add3A_195, %add3A_205 : i32
        %or3A_285 = arith.constant false
        %or3A_286 = arith.ori %or3A_285, %ne3A_284 : i1
        %or3A_287 = arith.constant false
        %or3A_288 = arith.ori %or3A_286, %or3A_287 : i1
        %or3A_289 = arith.constant false
        %or3A_290 = arith.ori %or3A_288, %or3A_289 : i1
        %or3A_291 = arith.ori %or3A_290, %eq3A_191 : i1
        %convert_element_type3A_292 = arith.extui %or3A_291 : i1 to i32
        %cond3A_293 = arith.constant 0 : i32
        %cond3A_294 = arith.cmpi ne, %convert_element_type3A_292, %cond3A_293 : i32
        scf.if %cond3A_294 {
        } else {
        }
        %rem3A_295 = arith.constant 4 : i32
        %rem3A_296 = arith.remui %scan3A_185, %rem3A_295 : i32
        %rem3A_297 = arith.constant 2 : i32
        %rem3A_298 = arith.remui %scan3A_187, %rem3A_297 : i32
        "tpu.trace_start"() <{level = 10 : i32, message = "ep_run_kernel"}> : () -> ()
        %get3A = arith.index_cast %add3A_195 : i32 to index
        %get3A_299 = memref.load %arg1[%get3A] : memref<16xi32, #tpu.memory_space<smem>>
        %gt3A = arith.constant 1024 : i32
        %gt3A_300 = arith.cmpi sgt, %get3A_299, %gt3A : i32
        %jit3A = arith.constant 0 : i32
        %select_n3A_301 = arith.select %gt3A_300, %get3A_299, %jit3A : i32
        %convert_element_type3A_302 = arith.trunci %select_n3A_301 : i32 to i16
        %get3A_303 = arith.constant 0 : index
        %get3A_304 = arith.constant 0 : index
        %get3A_305 = arith.constant 0 : index
        %get3A_306 = vector.load %arg2[%get3A_303, %get3A_304, %get3A_305] : memref<1x4096x1xi16, #tpu.memory_space<vmem>>, vector<1x4096x1xi16>
        %get3A_307 = vector.shape_cast %get3A_306 : vector<1x4096x1xi16> to vector<4096x1xi16>
        %lt3A_308 = vector.broadcast %convert_element_type3A_302 : i16 to vector<4096x1xi16>
        %lt3A_309 = arith.cmpi slt, %get3A_307, %lt3A_308 : vector<4096x1xi16>
        %get3A_310 = arith.constant 0 : i32
        %get3A_311 = arith.constant 0 : i32
        %get3A_312 = arith.constant 0 : i32
        %get3A_313 = tpu.memref_slice %run_scoped3A[%rem3A_296, %get3A_310, %get3A_311, %get3A_312] : memref<4x1x4096x128xf32, #tpu.memory_space<vmem>> -> memref<1x1x4096x128xf32, #tpu.memory_space<vmem>>
        %get3A_314 = tpu.memref_squeeze %get3A_313 : memref<1x1x4096x128xf32, #tpu.memory_space<vmem>> -> memref<1x4096x128xf32, #tpu.memory_space<vmem>>
        %get3A_315 = arith.constant 0 : index
        %get3A_316 = arith.constant 0 : index
        %get3A_317 = arith.constant 0 : index
        %get3A_318 = vector.load %get3A_314[%get3A_315, %get3A_316, %get3A_317] : memref<1x4096x128xf32, #tpu.memory_space<vmem>>, vector<1x4096x128xf32>
        %get3A_319 = vector.shape_cast %get3A_318 : vector<1x4096x128xf32> to vector<4096x128xf32>
        %jit3A_320 = arith.constant 0.000000e+00 : f32
        %broadcast_in_dim3A = vector.shape_cast %lt3A_309 : vector<4096x1xi1> to vector<4096x1xi1>
        %broadcast_in_dim3A_321 = vector.broadcast %broadcast_in_dim3A : vector<4096x1xi1> to vector<4096x128xi1>
        %broadcast_in_dim3A_322 = vector.broadcast %jit3A_320 : f32 to vector<4096x128xf32>
        %select_n3A_323 = arith.select %broadcast_in_dim3A_321, %broadcast_in_dim3A_322, %get3A_319 : vector<4096x128xi1>, vector<4096x128xf32>
        %swap3A = arith.constant 0 : i32
        %swap3A_324 = arith.constant 0 : i32
        %swap3A_325 = arith.constant 0 : i32
        %swap3A_326 = tpu.memref_slice %run_scoped3A_1[%rem3A_298, %swap3A, %swap3A_324, %swap3A_325] : memref<2x1x4096x128xf32, #tpu.memory_space<vmem>> -> memref<1x1x4096x128xf32, #tpu.memory_space<vmem>>
        %swap3A_327 = tpu.memref_squeeze %swap3A_326 : memref<1x1x4096x128xf32, #tpu.memory_space<vmem>> -> memref<1x4096x128xf32, #tpu.memory_space<vmem>>
        %swap3A_328 = arith.constant 0 : index
        %swap3A_329 = arith.constant 0 : index
        %swap3A_330 = arith.constant 0 : index
        %swap3A_331 = vector.load %swap3A_327[%swap3A_328, %swap3A_329, %swap3A_330] : memref<1x4096x128xf32, #tpu.memory_space<vmem>>, vector<1x4096x128xf32>
        %swap3A_332 = vector.shape_cast %swap3A_331 : vector<1x4096x128xf32> to vector<4096x128xf32>
        %swap3A_333 = vector.shape_cast %select_n3A_323 : vector<4096x128xf32> to vector<1x4096x128xf32>
        tpu.vector_store %swap3A_327[%swap3A_328, %swap3A_329, %swap3A_330], %swap3A_333 {strides = array<i32>} : memref<1x4096x128xf32, #tpu.memory_space<vmem>>, vector<1x4096x128xf32>,
        "tpu.trace_stop"() : () -> ()
        %ne3A_334 = arith.cmpi ne, %add3A_195, %add3A_215 : i32
        %or3A_335 = arith.constant false
        %or3A_336 = arith.ori %or3A_335, %ne3A_334 : i1
        %or3A_337 = arith.constant false
        %or3A_338 = arith.ori %or3A_336, %or3A_337 : i1
        %or3A_339 = arith.constant false
        %or3A_340 = arith.ori %or3A_338, %or3A_339 : i1
        %or3A_341 = arith.ori %or3A_340, %eq3A_193 : i1
        %convert_element_type3A_342 = arith.extui %or3A_341 : i1 to i32
        %cond3A_343 = arith.constant 0 : i32
        %cond3A_344 = arith.cmpi ne, %convert_element_type3A_342, %cond3A_343 : i32
        scf.if %cond3A_344 {
        } else {
        }
        %and3A_345 = arith.constant false
        %and3A_346 = arith.andi %or3A_341, %and3A_345 : i1
        %ne3A_347 = arith.cmpi ne, %add3A_195, %add3A_215 : i32
        %or3A_348 = arith.constant false
        %or3A_349 = arith.ori %or3A_348, %ne3A_347 : i1
        %or3A_350 = arith.constant false
        %or3A_351 = arith.ori %or3A_349, %or3A_350 : i1
        %or3A_352 = arith.constant false
        %or3A_353 = arith.ori %or3A_351, %or3A_352 : i1
        %or3A_354 = arith.ori %or3A_353, %eq3A_193 : i1
        %convert_element_type3A_355 = arith.extui %or3A_354 : i1 to i32
        %cond3A_356 = arith.constant 0 : i32
        %cond3A_357 = arith.cmpi ne, %convert_element_type3A_355, %cond3A_356 : i32
        scf.if %cond3A_357 {
          "tpu.trace_start"() <{level = 10 : i32, message = "ep_copy_out"}> : () -> ()
          %rem3A_415 = arith.constant 2 : i32
          %rem3A_416 = arith.remui %scan3A_187, %rem3A_415 : i32
          %mul3A_417 = arith.constant 1 : i32
          %mul3A_418 = arith.muli %mul3A_417, %add3A_195 : i32
          %dma_start3A_419 = tpu.memref_slice %run_scoped3A_2[%rem3A_416] : memref<2x!tpu.dma_semaphore, #tpu.memory_space<semaphore_mem>> -> memref<1x!tpu.dma_semaphore, #tpu.memory_space<semaphore_mem>>
          %dma_start3A_420 = tpu.memref_squeeze %dma_start3A_419 : memref<1x!tpu.dma_semaphore, #tpu.memory_space<semaphore_mem>> -> memref<!tpu.dma_semaphore, #tpu.memory_space<semaphore_mem>>
          %dma_start3A_421 = arith.constant 0 : i32
          %dma_start3A_422 = arith.constant 0 : i32
          %dma_start3A_423 = tpu.memref_slice %arg4[%mul3A_418, %dma_start3A_421, %dma_start3A_422] : memref<11x4096x128xf32, #tpu.memory_space<hbm>> -> memref<1x4096x128xf32, #tpu.memory_space<hbm>>
          %dma_start3A_424 = arith.constant 0 : i32
          %dma_start3A_425 = arith.constant 0 : i32
          %dma_start3A_426 = arith.constant 0 : i32
          %dma_start3A_427 = tpu.memref_slice %run_scoped3A_1[%rem3A_416, %dma_start3A_424, %dma_start3A_425, %dma_start3A_426] : memref<2x1x4096x128xf32, #tpu.memory_space<vmem>> -> memref<1x1x4096x128xf32, #tpu.memory_space<vmem>>
          %dma_start3A_428 = tpu.memref_squeeze %dma_start3A_427 : memref<1x1x4096x128xf32, #tpu.memory_space<vmem>> -> memref<1x4096x128xf32, #tpu.memory_space<vmem>>
          tpu.enqueue_dma source(%dma_start3A_428 : memref<1x4096x128xf32, #tpu.memory_space<vmem>>) target(%dma_start3A_423 : memref<1x4096x128xf32, #tpu.memory_space<hbm>>) target_semaphore(%dma_start3A_420 : memref<!tpu.dma_semaphore, #tpu.memory_space<semaphore_mem>>)
          "tpu.trace_stop"() : () -> ()
        } else {
        }
        %and3A_358 = arith.constant true
        %and3A_359 = arith.andi %or3A_354, %and3A_358 : i1
        %add3A_360 = arith.constant 1 : i32
        %add3A_361 = arith.addi %scan3A_187, %add3A_360 : i32
        %select_n3A_362 = arith.select %and3A_359, %add3A_361, %scan3A_187 : i32
        %ne3A_363 = arith.cmpi ne, %add3A_195, %add3A_205 : i32
        %or3A_364 = arith.constant false
        %or3A_365 = arith.ori %or3A_364, %ne3A_363 : i1
        %or3A_366 = arith.constant false
        %or3A_367 = arith.ori %or3A_365, %or3A_366 : i1
        %or3A_368 = arith.constant false
        %or3A_369 = arith.ori %or3A_367, %or3A_368 : i1
        %not3A_370 = arith.constant true
        %not3A_371 = arith.xori %eq3A_191, %not3A_370 : i1
        %and3A_372 = arith.andi %or3A_369, %not3A_371 : i1
        %convert_element_type3A_373 = arith.extui %and3A_372 : i1 to i32
        %cond3A_374 = arith.constant 0 : i32
        %cond3A_375 = arith.cmpi ne, %convert_element_type3A_373, %cond3A_374 : i32
        scf.if %cond3A_375 {
        } else {
        }
        %and3A_376 = arith.constant false
        %and3A_377 = arith.andi %and3A_372, %and3A_376 : i1
        %ne3A_378 = arith.cmpi ne, %add3A_195, %add3A_205 : i32
        %or3A_379 = arith.constant false
        %or3A_380 = arith.ori %or3A_379, %ne3A_378 : i1
        %or3A_381 = arith.constant false
        %or3A_382 = arith.ori %or3A_380, %or3A_381 : i1
        %or3A_383 = arith.constant false
        %or3A_384 = arith.ori %or3A_382, %or3A_383 : i1
        %not3A_385 = arith.constant true
        %not3A_386 = arith.xori %eq3A_191, %not3A_385 : i1
        %and3A_387 = arith.andi %or3A_384, %not3A_386 : i1
        %convert_element_type3A_388 = arith.extui %and3A_387 : i1 to i32
        %cond3A_389 = arith.constant 0 : i32
        %cond3A_390 = arith.cmpi ne, %convert_element_type3A_388, %cond3A_389 : i32
        scf.if %cond3A_390 {
          "tpu.trace_start"() <{level = 10 : i32, message = "ep_wait_out"}> : () -> ()
          %rem3A_415 = arith.constant 2 : i32
          %rem3A_416 = arith.remui %scan3A_188, %rem3A_415 : i32
          %mul3A_417 = arith.constant 1 : i32
          %mul3A_418 = arith.muli %mul3A_417, %add3A_205 : i32
          %dma_wait3A_419 = tpu.memref_slice %run_scoped3A_2[%rem3A_416] : memref<2x!tpu.dma_semaphore, #tpu.memory_space<semaphore_mem>> -> memref<1x!tpu.dma_semaphore, #tpu.memory_space<semaphore_mem>>
          %dma_wait3A_420 = tpu.memref_squeeze %dma_wait3A_419 : memref<1x!tpu.dma_semaphore, #tpu.memory_space<semaphore_mem>> -> memref<!tpu.dma_semaphore, #tpu.memory_space<semaphore_mem>>
          %dma_wait3A_421 = arith.constant 0 : i32
          %dma_wait3A_422 = arith.constant 0 : i32
          %dma_wait3A_423 = tpu.memref_slice %arg4[%mul3A_418, %dma_wait3A_421, %dma_wait3A_422] : memref<11x4096x128xf32, #tpu.memory_space<hbm>> -> memref<1x4096x128xf32, #tpu.memory_space<hbm>>
          %dma_wait3A_424 = arith.constant 0 : i32
          %dma_wait3A_425 = arith.constant 0 : i32
          %dma_wait3A_426 = arith.constant 0 : i32
          %dma_wait3A_427 = tpu.memref_slice %run_scoped3A_1[%rem3A_416, %dma_wait3A_424, %dma_wait3A_425, %dma_wait3A_426] : memref<2x1x4096x128xf32, #tpu.memory_space<vmem>> -> memref<1x1x4096x128xf32, #tpu.memory_space<vmem>>
          %dma_wait3A_428 = tpu.memref_squeeze %dma_wait3A_427 : memref<1x1x4096x128xf32, #tpu.memory_space<vmem>> -> memref<1x4096x128xf32, #tpu.memory_space<vmem>>
          tpu.wait_dma2 semaphore(%dma_wait3A_420 : memref<!tpu.dma_semaphore, #tpu.memory_space<semaphore_mem>>) src(%dma_wait3A_428 : memref<1x4096x128xf32, #tpu.memory_space<vmem>>) dst(%dma_wait3A_423 : memref<1x4096x128xf32, #tpu.memory_space<hbm>>)
          "tpu.trace_stop"() : () -> ()
        } else {
        }
        %and3A_391 = arith.constant true
        %and3A_392 = arith.andi %and3A_387, %and3A_391 : i1
        %add3A_393 = arith.constant 1 : i32
        %add3A_394 = arith.addi %scan3A_188, %add3A_393 : i32
        %select_n3A_395 = arith.select %and3A_392, %add3A_394, %scan3A_188 : i32
        %ne3A_396 = arith.cmpi ne, %add3A_195, %add3A_215 : i32
        %or3A_397 = arith.constant false
        %or3A_398 = arith.ori %or3A_397, %ne3A_396 : i1
        %or3A_399 = arith.constant false
        %or3A_400 = arith.ori %or3A_398, %or3A_399 : i1
        %or3A_401 = arith.constant false
        %or3A_402 = arith.ori %or3A_400, %or3A_401 : i1
        %or3A_403 = arith.ori %or3A_402, %eq3A_193 : i1
        %add3A_404 = arith.constant 1 : i32
        %add3A_405 = arith.addi %scan3A_185, %add3A_404 : i32
        %select_n3A_406 = arith.select %or3A_403, %add3A_405, %scan3A_185 : i32
        %add3A_407 = arith.constant 1 : i32
        %add3A_408 = arith.addi %scan3A_189, %add3A_407 : i32
        %select_n3A_409 = arith.constant true
        %select_n3A_410 = arith.select %select_n3A_409, %add3A_408, %scan3A_189 : i32
        %eq3A_411 = arith.constant 11 : i32
        %eq3A_412 = arith.cmpi eq, %select_n3A_410, %eq3A_411 : i32
        %select_n3A_413 = arith.constant 0 : i32
        %select_n3A_414 = arith.select %eq3A_412, %select_n3A_413, %select_n3A_410 : i32
        scf.yield %while3A_262#2, %select_n3A_406, %while3A_262#0, %select_n3A_362, %select_n3A_395, %select_n3A_414 : i32, i32, i32, i32, i32, i32
      }
      %scan3A_110 = arith.constant 11 : i32
      %sub3A = arith.constant 1 : i32
      %sub3A_111 = arith.subi %scan3A_109#5, %sub3A : i32
      %select_n3A_112 = arith.constant true
      %select_n3A_113 = arith.select %select_n3A_112, %sub3A_111, %scan3A_109#5 : i32
      %eq3A_114 = arith.constant -1 : i32
      %eq3A_115 = arith.cmpi eq, %select_n3A_113, %eq3A_114 : i32
      %select_n3A_116 = arith.constant 10 : i32
      %select_n3A_117 = arith.select %eq3A_115, %select_n3A_116, %select_n3A_113 : i32
      %add3A_118 = arith.constant 0 : i32
      %add3A_119 = arith.addi %select_n3A_117, %add3A_118 : i32
      %sub3A_120 = arith.constant 1 : i32
      %sub3A_121 = arith.subi %select_n3A_117, %sub3A_120 : i32
      %select_n3A_122 = arith.constant true
      %select_n3A_123 = arith.select %select_n3A_122, %sub3A_121, %select_n3A_117 : i32
      %eq3A_124 = arith.constant -1 : i32
      %eq3A_125 = arith.cmpi eq, %select_n3A_123, %eq3A_124 : i32
      %select_n3A_126 = arith.constant 10 : i32
      %select_n3A_127 = arith.select %eq3A_125, %select_n3A_126, %select_n3A_123 : i32
      %add3A_128 = arith.constant 0 : i32
      %add3A_129 = arith.addi %select_n3A_127, %add3A_128 : i32
      %add3A_130 = arith.constant 1 : i32
      %add3A_131 = arith.addi %select_n3A_117, %add3A_130 : i32
      %select_n3A_132 = arith.constant true
      %select_n3A_133 = arith.select %select_n3A_132, %add3A_131, %select_n3A_117 : i32
      %eq3A_134 = arith.constant 11 : i32
      %eq3A_135 = arith.cmpi eq, %select_n3A_133, %eq3A_134 : i32
      %select_n3A_136 = arith.constant 0 : i32
      %select_n3A_137 = arith.select %eq3A_135, %select_n3A_136, %select_n3A_133 : i32
      %add3A_138 = arith.constant 0 : i32
      %add3A_139 = arith.addi %select_n3A_137, %add3A_138 : i32
      %add3A_140 = arith.constant 1 : i32
      %add3A_141 = arith.addi %select_n3A_137, %add3A_140 : i32
      %select_n3A_142 = arith.constant true
      %select_n3A_143 = arith.select %select_n3A_142, %add3A_141, %select_n3A_137 : i32
      %eq3A_144 = arith.constant 11 : i32
      %eq3A_145 = arith.cmpi eq, %select_n3A_143, %eq3A_144 : i32
      %select_n3A_146 = arith.constant 0 : i32
      %select_n3A_147 = arith.select %eq3A_145, %select_n3A_146, %select_n3A_143 : i32
      %add3A_148 = arith.constant 0 : i32
      %add3A_149 = arith.addi %select_n3A_147, %add3A_148 : i32
      %add3A_150 = arith.constant 1 : i32
      %add3A_151 = arith.addi %select_n3A_147, %add3A_150 : i32
      %select_n3A_152 = arith.constant true
      %select_n3A_153 = arith.select %select_n3A_152, %add3A_151, %select_n3A_147 : i32
      %eq3A_154 = arith.constant 11 : i32
      %eq3A_155 = arith.cmpi eq, %select_n3A_153, %eq3A_154 : i32
      %select_n3A_156 = arith.constant 0 : i32
      %select_n3A_157 = arith.select %eq3A_155, %select_n3A_156, %select_n3A_153 : i32
      %add3A_158 = arith.constant 0 : i32
      %add3A_159 = arith.addi %select_n3A_157, %add3A_158 : i32
      %add3A_160 = arith.constant 1 : i32
      %add3A_161 = arith.addi %select_n3A_157, %add3A_160 : i32
      %select_n3A_162 = arith.constant true
      %select_n3A_163 = arith.select %select_n3A_162, %add3A_161, %select_n3A_157 : i32
      %eq3A_164 = arith.constant 11 : i32
      %eq3A_165 = arith.cmpi eq, %select_n3A_163, %eq3A_164 : i32
      %select_n3A_166 = arith.constant 0 : i32
      %select_n3A_167 = arith.select %eq3A_165, %select_n3A_166, %select_n3A_163 : i32
      %add3A_168 = arith.constant 0 : i32
      %add3A_169 = arith.addi %select_n3A_167, %add3A_168 : i32
      "tpu.trace_start"() <{level = 10 : i32, message = "ep_finalize"}> : () -> ()
      %rem3A_170 = arith.constant 2 : i32
      %rem3A_171 = arith.remui %scan3A_109#4, %rem3A_170 : i32
      %mul3A_172 = arith.constant 1 : i32
      %mul3A_173 = arith.muli %mul3A_172, %add3A_119 : i32
      %dma_wait3A = tpu.memref_slice %run_scoped3A_2[%rem3A_171] : memref<2x!tpu.dma_semaphore, #tpu.memory_space<semaphore_mem>> -> memref<1x!tpu.dma_semaphore, #tpu.memory_space<semaphore_mem>>
      %dma_wait3A_174 = tpu.memref_squeeze %dma_wait3A : memref<1x!tpu.dma_semaphore, #tpu.memory_space<semaphore_mem>> -> memref<!tpu.dma_semaphore, #tpu.memory_space<semaphore_mem>>
      %dma_wait3A_175 = arith.constant 0 : i32
      %dma_wait3A_176 = arith.constant 0 : i32
      %dma_wait3A_177 = tpu.memref_slice %arg4[%mul3A_173, %dma_wait3A_175, %dma_wait3A_176] : memref<11x4096x128xf32, #tpu.memory_space<hbm>> -> memref<1x4096x128xf32, #tpu.memory_space<hbm>>
      %dma_wait3A_178 = arith.constant 0 : i32
      %dma_wait3A_179 = arith.constant 0 : i32
      %dma_wait3A_180 = arith.constant 0 : i32
      %dma_wait3A_181 = tpu.memref_slice %run_scoped3A_1[%rem3A_171, %dma_wait3A_178, %dma_wait3A_179, %dma_wait3A_180] : memref<2x1x4096x128xf32, #tpu.memory_space<vmem>> -> memref<1x1x4096x128xf32, #tpu.memory_space<vmem>>
      %dma_wait3A_182 = tpu.memref_squeeze %dma_wait3A_181 : memref<1x1x4096x128xf32, #tpu.memory_space<vmem>> -> memref<1x4096x128xf32, #tpu.memory_space<vmem>>
      tpu.wait_dma2 semaphore(%dma_wait3A_174 : memref<!tpu.dma_semaphore, #tpu.memory_space<semaphore_mem>>) src(%dma_wait3A_182 : memref<1x4096x128xf32, #tpu.memory_space<vmem>>) dst(%dma_wait3A_177 : memref<1x4096x128xf32, #tpu.memory_space<hbm>>)
      "tpu.trace_stop"() : () -> ()
      tpu.yield
    }) : () -> ()
    return
  }
  func.func @transform_0(%arg0: i32, %arg1: memref<16xi32, #tpu.memory_space<smem>>) -> (i32, i32, i32) {
    %c0_i32 = arith.constant 0 : i32
    %c0_i32_0 = arith.constant 0 : i32
    %c0_i32_1 = arith.constant 0 : i32
    %c0_i32_2 = arith.constant 0 : i32
    return %c0_i32, %c0_i32_0, %c0_i32_1 : i32, i32, i32
  }
}

</mosaic_0001>

<sc_bundles>
// kernel: kernel.4.cloned.1.call-start
scs
__scs_entry_jumppad:
0x0: {  	(pc) =	sbr.rel $0x88, $3  }
0x1: {  	(tag) =	ssettag $0x0;
	lr =	simm.s32 $0x1  }
0x2: {  	[smem:$0x3F9F] =	sst lr;
	_ =	strace $0xD0000000  }
0x3: {  	_ = 	snop  }
0x4: {  	_ = 	snop  }
0x5: {  	_ = 	snop  }
0x6: {  	_ = 	snop  }
0x7: {  	_ = 	snop  }
__scs_overlays_trampoline_lowered:
0x8: {  	[smem:$0x3FAE] =	sst s0  }
0x9: {  	[smem:$0x3FAF] =	sst s1  }
0xa: {  	[smem:$0x3FB0] =	sst s2  }
0xb: {  	[smem:$0x3FB1] =	sst s3  }
0xc: {  	[smem:$0x3FB2] =	sst s4  }
0xd: {  	[smem:$0x3FB3] =	sst s5  }
0xe: {  	[smem:$0x3FB4] =	sst s6  }
0xf: {  	[smem:$0x3FB5] =	sst s7  }
0x10: {  	[smem:$0x3FB6] =	sst s8  }
0x11: {  	[smem:$0x3FB7] =	sst s9;
	s0 =	simm.s32 @!p0 $0x0  }
0x12: {  	s1 =	sld [smem:$0x3F9D];
	s0 =	simm.s32 @p0 $0x1  }
0x13: {  	[smem:$0x3FB8] =	sst s0;
	s0 =	simm.s32 @!p1 $0x0  }
0x14: {  	s2 =	sld [smem:$0x3F9C];
	s0 =	simm.s32 @p1 $0x1  }
0x15: {  	[smem:$0x3FB9] =	sst s0;
	s0 =	simm.s32 @!p2 $0x0  }
0x16: {  	s3 =	sld [smem:$0x3FDB];
	s0 =	simm.s32 @p2 $0x1  }
0x17: {  	s4 =	simm.s32 $0x1BF5;
	[smem:$0x3FBB] =	sst s0  }
0x18: {  	s0 =	sld [smem:$0x3F9E];
	_ =	swait.ge [sflag:s4], $0x0  }
0x19: {  	s7 =	sld [smem:$0x3F9F]  }
0x1a: {  	s8 =	sadd.s32 $0xFFFFE003, lr  }
0x1b: {  	s9 =	sadd.s32 $0xFFFFFEF7, lr;
	s5 =	simm.s32 $0xFFFFFFFF;
	p2 =	slt.u32 s8, $0xFFFFF086  }
0x1c: {  	p1 =	slt.u32 s9, $0xF7A;
	s5 =	simm.s32 @!p2 $0x0  }
0x1d: {  	s5 =	simm.s32 @p1 $0x1;
	p0 =	seq.s32 s7, s2  }
0x1e: {  	s7 =	smul.u32 @!p0 $0xF7A, s2;
	p2 =	seq.s32 @!p0 s5, $0x0  }
0x1f: {  	s9 =	smul.u32 $0xF7A, s1;
	s8 =	simm.s32 @!p0 $0x1BF5;
	p2 =	por !p2, p0  }
0x20: {  	[sflag:s8] =	ssyncset.s32 @!p0 $0xFFFFF086;
	s6 =	sadd.s32 @!p0 s3, s7;
	s7 =	simm.s32 @!p0 $0x108  }
0x21: {  	s3 =	sadd.s32 s3, s9;
	s6 =	sadd.s32 @!p0 $0x88, s6;
	s7 =	simm.s32 @p2 $0x1082  }
0x22: {  	[simem:s7], [sflag:s8] =	dma.local @!p0 [hbm:s6], $0xF7A  }
0x23: {  	s9 =	sor.u32 $0xD0000000, s2;
	s6 =	simm.s32 $0x108;
	_ =	swait.ge @!p0 [sflag:s8], $0x0  }
0x24: {  	s3 =	sadd.s32 $0x88, s3;
	s6 =	simm.s32 @!p1 $0x1082;
	[sflag:s4] =	ssyncset.s32 $0xFFFFF086  }
0x25: {  	[simem:s6], [sflag:s4] =	dma.local [hbm:s3], $0xF7A  }
0x26: {  	[smem:$0x3F9F] =	sst s1;
	(tag) =	ssettag s2;
	_ =	strace s9  }
0x27: {  	s1 =	sld [smem:$0x3FAF]  }
0x28: {  	s2 =	sld [smem:$0x3FB0]  }
0x29: {  	s4 =	sld [smem:$0x3FB2]  }
0x2a: {  	p0 =	seq.s32 s5, $0x0;
	s5 =	sld [smem:$0x3FB3]  }
0x2b: {  	s6 =	sld [smem:$0x3FB4]  }
0x2c: {  	s7 =	sld [smem:$0x3FB5]  }
0x2d: {  	s3 =	simm.s32 $0x108;
	s8 =	sld [smem:$0x3FB6]  }
0x2e: {  	s3 =	simm.s32 @!p0 $0x1082;
	s9 =	sld [smem:$0x3FB7]  }
0x2f: {  	lr =	sadd.s32 s0, s3;
	s0 =	sld [smem:$0x3FAE]  }
0x30: {  	s3 =	sld [smem:$0x3FB1]  }
0x31: {  	[smem:$0x3FBA] =	sst s10  }
0x32: {  	s10 =	sld [smem:$0x3FB8];
	_ =	sdelay $0x3  }
0x33: {  	p0 =	seq.s32 s10, $0x1;
	s10 =	sld [smem:$0x3FBA];
	_ =	sdelay $0x3  }
0x34: {  	[smem:$0x3FBA] =	sst s10  }
0x35: {  	s10 =	sld [smem:$0x3FB9];
	_ =	sdelay $0x3  }
0x36: {  	p1 =	seq.s32 s10, $0x1;
	s10 =	sld [smem:$0x3FBA];
	_ =	sdelay $0x3  }
0x37: {  	[smem:$0x3FBA] =	sst s10  }
0x38: {  	s10 =	sld [smem:$0x3FBB]  }
0x39: {  	_ = 	snop;
	(pc) =	sbr.ind lr, $3  }
0x3a: {  	_ = 	snop  }
0x3b: {  	_ = 	snop  }
0x3c: {  	p2 =	seq.s32 s10, $0x1;
	s10 =	sld [smem:$0x3FBA]  }
0x3d: {  	_ =	shalt  }
0x3e: {  	_ =	shalt  }
0x3f: {  	_ =	shalt  }
0x40: {  	_ =	shalt  }
0x41: {  	_ =	shalt  }
0x42: {  	_ =	shalt  }
0x43: {  	_ =	shalt  }
0x44: {  	_ =	shalt  }
0x45: {  	_ =	shalt  }
0x46: {  	_ =	shalt  }
0x47: {  	_ =	shalt  }
0x48: {  	_ =	shalt  }
0x49: {  	_ =	shalt  }
0x4a: {  	_ =	shalt  }
0x4b: {  	_ =	shalt  }
0x4c: {  	_ =	shalt  }
0x4d: {  	_ =	shalt  }
0x4e: {  	_ =	shalt  }
0x4f: {  	_ =	shalt  }
0x50: {  	_ =	shalt  }
0x51: {  	_ =	shalt  }
0x52: {  	_ =	shalt  }
0x53: {  	_ =	shalt  }
0x54: {  	_ =	shalt  }
0x55: {  	_ =	shalt  }
0x56: {  	_ =	shalt  }
0x57: {  	_ =	shalt  }
0x58: {  	_ =	shalt  }
0x59: {  	_ =	shalt  }
0x5a: {  	_ =	shalt  }
0x5b: {  	_ =	shalt  }
0x5c: {  	_ =	shalt  }
0x5d: {  	_ =	shalt  }
0x5e: {  	_ =	shalt  }
0x5f: {  	_ =	shalt  }
0x60: {  	_ =	shalt  }
0x61: {  	_ =	shalt  }
0x62: {  	_ =	shalt  }
0x63: {  	_ =	shalt  }
0x64: {  	_ =	shalt  }
0x65: {  	_ =	shalt  }
0x66: {  	_ =	shalt  }
0x67: {  	_ =	shalt  }
0x68: {  	_ =	shalt  }
0x69: {  	_ =	shalt  }
0x6a: {  	_ =	shalt  }
0x6b: {  	_ =	shalt  }
0x6c: {  	_ =	shalt  }
0x6d: {  	_ =	shalt  }
0x6e: {  	_ =	shalt  }
0x6f: {  	_ =	shalt  }
0x70: {  	_ =	shalt  }
0x71: {  	_ =	shalt  }
0x72: {  	_ =	shalt  }
0x73: {  	_ =	shalt  }
0x74: {  	_ =	shalt  }
0x75: {  	_ =	shalt  }
0x76: {  	_ =	shalt  }
0x77: {  	_ =	shalt  }
0x78: {  	_ =	shalt  }
0x79: {  	_ =	shalt  }
0x7a: {  	_ =	shalt  }
0x7b: {  	_ =	shalt  }
0x7c: {  	_ =	shalt  }
0x7d: {  	_ =	shalt  }
0x7e: {  	_ =	shalt  }
0x7f: {  	_ =	shalt  }
0x80: {  	_ =	shalt  }
0x81: {  	_ =	shalt  }
0x82: {  	_ =	shalt  }
0x83: {  	_ =	shalt  }
0x84: {  	_ =	shalt  }
0x85: {  	_ =	shalt  }
0x86: {  	_ =	shalt  }
0x87: {  	_ =	shalt  }
.Lfunc_end0:
.L_simem_size_0:
called_computation_lowered:
.L_overlay_start_0:
0x88: {  	s2 =	sld [smem:$0x3FD9]  }
0x89: {  	s3 =	sld [smem:$0x3FFE];
	_ =	sdelay $0x1  }
0x8a: {  	s1 =	srdreg.scid  }
0x8b: {  	s0 =	sand.u32 $0x1, s1  }
0x8c: {  	s17 =	sshll.u32 s0, $0xA;
	s2 =	sadd.s32 s3, s2  }
0x8d: {  	s2 =	sadd.s32 s2, s17  }
0x8e: {  	[smem:$0x3FC6] =	sst s2  }
0x8f: {  	_ = 	snop  }
0x90: {  	s2 =	sld [smem:$0x3FC8];
	(tm) =	ssettm $0x1  }
0x91: {  	s18 =	sld [smem:$0x3FFB];
	_ =	sdelay $0x3  }
0x92: {  	_ =	strace s18  }
0x93: {  	s3 =	sld [smem:$0x3FFC];
	_ =	sdelay $0x3  }
0x94: {  	_ =	strace s3  }
0x95: {  	s3 =	sld [smem:$0x3FFD];
	_ =	sdelay $0x3  }
0x96: {  	_ =	strace s3  }
0x97: {  	_ =	strace $0x8FFFFFFF  }
0x98: {  	s19 =	sld [smem:$0x3FDB];
	_ =	sdelay $0x1  }
0x99: {  	s4 =	simm.s32 $_scs_section_size  }
0x9a: {  	s5 =	simm.s32 $_size__tile_overlayer_lowered;
	s6 =	simm.s32 $_tile_overlayer_lowered  }
0x9b: {  	s22 =	simm.s32 $0x1BFF;
	s21 =	sshll.u32 s6, $0x1;
	s3 =	sadd.s32 s4, s19  }
0x9c: {  	s7 =	simm.s32 $0x0;
	s20 =	sshll.u32 s5, $0x1;
	s5 =	sadd.s32 s21, s3  }
0x9d: {  	[timem:s7], [sflag:s22] =	dma.local [hbm:s5], s20  }
0x9e: {  	_ =	swait.ge [sflag:s22], s20  }
0x9f: {  	s4 =	ssub.s32 $0x0, s20;
	[sflag:s22] =	ssyncset.done $0x0  }
0xa0: {  	[sflag:s22] =	ssyncadd.s32 s4;
	_ =	sdelay $0x1  }
0xa1: {  	s23 =	simm.s32 $0x1B8B  }
0xa2: {  	_ =	swait.ge [sflag:s23], $0x1  }
0xa3: {  	[sflag:s23] =	ssyncset.done $0x0  }
0xa4: {  	s25 =	simm.s32 $0x1B8E;
	s24 =	sld [smem:$0x3FFE];
	[sflag:s23] =	ssyncadd.s32 $0xFFFFFFFF  }
0xa5: {  	s26 =	simm.s32 $execute0_lowered;
	[smem:$0x3FD2] =	sst s25  }
0xa6: {  	s5 =	sshll.u32 s26, $0x1;
	_ =	strace $0x80000046;
	[dreg:$0x1] =	wrdreg $0xFFFFFFFF  }
0xa7: {  	s28 =	simm.s32 $_size_execute0_lowered;
	s3 =	sadd.s32 s3, s5;
	[dreg:$0x0] =	wrdreg $0x0  }
0xa8: {  	s5 =	sshll.u32 s28, $0x1;
	[dreg:$0x2] =	wrdreg s3  }
0xa9: {  	[dreg:$0x3] =	wrdreg s5  }
0xaa: {  	[dreg:$0x4] =	wrdreg $0xC0  }
0xab: {  	_ =	task [dreg:s7], $0x5FFFF  }
0xac: {  	[dreg:$0x1] =	wrdreg $0xFFFFFFFF  }
0xad: {  	[dreg:$0x0] =	wrdreg $0x60  }
0xae: {  	[dreg:$0x2] =	wrdreg s24  }
0xaf: {  	[dreg:$0x3] =	wrdreg s2  }
0xb0: {  	[dreg:$0x4] =	wrdreg $0x9  }
0xb1: {  	_ =	task.clear_ibuf [dreg:s7], $0x5FFFF;
	_ =	strace $0x90000046  }
0xb2: {  	s29 =	simm.s32 $0x9;
	_ =	strace $0x80000048  }
0xb3: {  	_ =	swait.ge [sflag:s29], $0x1  }
0xb4: {  	[sflag:s29] =	ssyncadd.s32 $0xFFFFFFFF  }
0xb5: {  	_ =	strace $0x90000048  }
0xb6: {  	_ =	sfence  }
0xb7: {  	s30 =	sld [smem:$0x0];
	_ =	sdelay $0x2  }
0xb8: {  	s31 =	sshll.u32 s1, $0xD;
	s1 =	sshrl.u32 s1, $0x2  }
0xb9: {  	s3 =	sand.u32 $0x4000, s31;
	s1 =	sadd.s32 s1, s30  }
0xba: {  	s0 =	sor.u32 s3, s0;
	s1 =	sshll.u32 s1, $0x11  }
0xbb: {  	s0 =	sor.u32 s1, s0  }
0xbc: {  	s0 =	sadd.s32 $0x8F2B, s0  }
0xbd: {  	[sflag:s0] =	ssyncadd.remote.s32 $0x1  }
0xbe: {  	_ =	sfence.sel $0xFFFF  }
0xbf: {  	[dreg:$0x0] =	wrdreg $0xFFFFFFFF;
	(pc) =	sbr.abs _section_cstart, $3  }
0xc0: {  	[dreg:$0x1] =	wrdreg $0xFFFFFFFF  }
0xc1: {  	_ =	task.clear_ibuf [dreg:s7], $0x2FFFF;
	_ =	strace $0x9FFFFFFF  }
0xc2: {  	(tm) =	ssettm $0x7FFFFFFF  }
0xc3: {  	_ =	shalt  }
tec
execute0_lowered:
.L_overlay_start_1:
0x0: {  	(tag) =	ssettag $0x1  }
0x1: {  	s0 =	srdreg.scid  }
0x2: {  	s26 =	stileid.u32;
	s13 =	rddreg [dreg:$0x0]  }
0x3: {  	s28 =	simm.s32 $0x4000;
	s7 =	sand.u32 $0x1, s0;
	s19 =	sshll.u32 s26, $0x1  }
0x4: {  	s3 =	sor.u32 s7, s19;
	s9 =	ssub.s32 $0x2, s7;
	s7 =	smul.u32 $0x280, s7  }
0x5: {  	s29 =	simm.s32 $0x8000;
	s30 =	simm.s32 $0xC000;
	s2 =	smul.u32 $0x5, s3  }
0x6: {  	s31 =	simm.s32 $0x1;
	s10 =	sshrl.u32 s9, $0x1;
	s8 =	smul.u32 $0x280, s3  }
0x7: {  	s10 =	ssub.s32 s9, s10;
	s12 =	sadd.s32 $0x1, s2;
	s15 =	sadd.s32 $0x2, s2  }
0x8: {  	s5 =	sand.u32 $0xF80, s8;
	s16 =	sadd.s32 $0x4, s2;
	s8 =	sshrl.u32 s8, $0xC  }
0x9: {  	s6 =	sshrl.u32 s12, $0x5;
	s20 =	sshll.u32 s12, $0x7;
	s11 =	sshrl.u32 s15, $0x5  }
0xa: {  	s21 =	sshll.u32 s15, $0x7;
	s18 =	smul.u32 $0x199A, s5;
	s12 =	sshll.u32 s12, $0xB  }
0xb: {  	s15 =	sshll.u32 s15, $0xB;
	s8 =	sadd.s32 $0xB, s8;
	s1 =	sshll.u32 s6, $0xC  }
0xc: {  	s14 =	sshll.u32 s11, $0xC;
	s12 =	sand.u32 $0x1FFFF800, s12;
	s15 =	sand.u32 $0x1FFFF800, s15  }
0xd: {  	s6 =	sadd.s32 $0xB, s6;
	s11 =	sadd.s32 $0xB, s11;
	s0 =	ssub.s32 s20, s1  }
0xe: {  	v0 =	vmov s8;
	s8 =	simm.s32 $0x7;
	s1 =	smulhi.u32 $0x66666667, s0;
	s4 =	sshra.s32 s0, $0x1F  }
0xf: {  	s9 =	ssub.s32 s21, s14;
	s20 =	sadd.s32 $0x3, s2;
	s4 =	smul.u32 $0x66666667, s4  }
0x10: {  	s18 =	sshrl.u32 s18, $0x10;
	v1 =	vmov s6;
	s6 =	simm.s32 $0x4;
	s14 =	sshra.s32 s9, $0x1F  }
0x11: {  	s17 =	sshrl.u32 s20, $0x5;
	s18 =	smul.u32 $0xA, s18;
	s1 =	sadd.s32 s4, s1  }
0x12: {  	s14 =	smul.u32 $0x66666667, s14;
	s4 =	sshrl.u32 s1, $0x1F;
	s1 =	sshra.s32 s1, $0x2  }
0x13: {  	s23 =	sshll.u32 s20, $0x7;
	s1 =	sadd.s32 s4, s1;
	s4 =	smulhi.u32 $0x66666667, s9  }
0x14: {  	s20 =	sshll.u32 s20, $0xB;
	s24 =	sshll.u32 s17, $0xC;
	s1 =	smul.u32 $0xA, s1  }
0x15: {  	s22 =	sadd.s32 s14, s4;
	s14 =	ssub.s32 s23, s24;
	s23 =	sshll.u32 s16, $0x7  }
0x16: {  	s1 =	ssub.s32 s0, s1;
	s19 =	sshrl.u32 s22, $0x1F;
	s2 =	sshra.s32 s22, $0x2  }
0x17: {  	s4 =	smulhi.u32 $0x66666667, s14;
	s22 =	sshra.s32 s14, $0x1F;
	s21 =	ssub.s32 $0xA, s1  }
0x18: {  	s1 =	ssub.s32 $0x0, s1;
	s2 =	sadd.s32 s19, s2;
	s19 =	sshrl.u32 s16, $0x5  }
0x19: {  	s22 =	smul.u32 $0x66666667, s22;
	s24 =	sshll.u32 s19, $0xC;
	p0 =	slt.u32 s21, $0xA  }
0x1a: {  	s24 =	ssub.s32 s23, s24;
	s1 =	smov.u32 @p0 s21;
	s21 =	smul.u32 $0xA, s2  }
0x1b: {  	s4 =	sadd.s32 s22, s4;
	s23 =	sshra.s32 s24, $0x1F;
	s25 =	smulhi.u32 $0x66666667, s24  }
0x1c: {  	s22 =	smul.u32 $0x66666667, s23;
	s23 =	sshrl.u32 s4, $0x1F;
	s4 =	sshra.s32 s4, $0x2  }
0x1d: {  	s18 =	ssub.s32 s5, s18;
	s2 =	simm.s32 $0x0;
	s4 =	sadd.s32 s23, s4  }
0x1e: {  	s23 =	smul.u32 $0x2800, s3;
	s3 =	ssub.s32 s9, s21;
	s25 =	sadd.s32 s22, s25  }
0x1f: {  	s4 =	smul.u32 $0xA, s4;
	s22 =	sshrl.u32 s25, $0x1F;
	s21 =	sshra.s32 s25, $0x2  }
0x20: {  	[smem:$0x7FF] =	sst s2;
	s21 =	sadd.s32 s22, s21;
	s22 =	ssub.s32 $0xA, s3  }
0x21: {  	s3 =	ssub.s32 $0x0, s3;
	s4 =	ssub.s32 s14, s4;
	p0 =	slt.u32 s22, $0xA  }
0x22: {  	s21 =	smul.u32 $0xA, s21;
	s3 =	smov.u32 @p0 s22;
	s22 =	ssub.s32 $0xA, s4  }
0x23: {  	s25 =	sadd.s32 $0x600, s13;
	s4 =	ssub.s32 $0x0, s4;
	p0 =	slt.u32 s22, $0xA  }
0x24: {  	s13 =	sadd.s32 $0x50600, s13;
	s21 =	ssub.s32 s24, s21;
	s4 =	smov.u32 @p0 s22  }
0x25: {  	s22 =	ssub.s32 $0xA, s21;
	s5 =	ssub.s32 $0x0, s21;
	s21 =	sadd.s32 s25, s15  }
0x26: {  	s20 =	sand.u32 $0x1FFFF800, s20;
	s15 =	sadd.s32 s13, s15;
	[dreg:$0x7] =	wrdreg s21  }
0x27: {  	s16 =	sshll.u32 s16, $0xB;
	p0 =	slt.u32 s22, $0xA;
	[dreg:$0xa] =	wrdreg s15  }
0x28: {  	s15 =	sadd.s32 $0xB, s17;
	s5 =	smov.u32 @p0 s22;
	s22 =	sadd.s32 s25, s23  }
0x29: {  	s21 =	sadd.s32 s1, s0;
	[dreg:$0x3] =	wrdreg s22;
	s22 =	sadd.s32 s13, s23  }
0x2a: {  	s0 =	simm.s32 $0x5;
	s23 =	sadd.s32 s25, s12;
	[dreg:$0x4] =	wrdreg s22  }
0x2b: {  	s17 =	simm.s32 $0x3;
	s12 =	sadd.s32 s13, s12;
	[dreg:$0x5] =	wrdreg s23  }
0x2c: {  	p0 =	seq.s32 s18, $0x0;
	s24 =	sadd.s32 s5, s24;
	[dreg:$0x6] =	wrdreg s12  }
0x2d: {  	s12 =	sand.u32 $0x1FFFF800, s16;
	s22 =	sadd.s32 s25, s20;
	s23 =	smul.u32 $0x500, s26  }
0x2e: {  	s26 =	sadd.s32 s13, s20;
	s16 =	sadd.s32 $0xB, s19;
	s19 =	smax.u32 s10, $0x1  }
0x2f: {  	s10 =	simm.s32 $0x0;
	[dreg:$0x8] =	wrdreg s22;
	s25 =	sadd.s32 s25, s12  }
0x30: {  	[dreg:$0xb] =	wrdreg s26;
	s12 =	sadd.s32 s13, s12;
	s22 =	sadd.s32 s3, s9  }
0x31: {  	s26 =	simm.s32 $0x9;
	s9 =	simm.s32 $0x8;
	[dreg:$0x9] =	wrdreg s25  }
0x32: {  	[dreg:$0xc] =	wrdreg s12;
	s7 =	sadd.s32 s7, s23;
	s12 =	ssub.s32 $0xA, s18  }
0x33: {  	s23 =	sadd.s32 s4, s14;
	s25 =	simm.s32 $0x10000;
	s12 =	simm.s32 @p0 $0x0  }
0x34: {  	vm0 =	vmxor vm0, vm0;
	s14 =	simm.s32 $0x2;
	s7 =	sand.u32 $0xF80, s7;
	s18 =	sand.u32 $0xFFFE, s12  }
0x35: {  	v2 =	vmov s11;
	v3 =	vmov s15;
	v4 =	vmov s16;
	_ =	strace $0x80000047;
	s20 =	sor.u32 s7, s18;
	s7 =	simm.s32 $0x6  }
.LBB2_1:
0x36: {  	s11 =	rddreg [dreg:$0x1]  }
0x37: {  	[tilespmem:s25], [sflag:$0x9] =	stream.linear.gather [hbm4b:s11+s2], $0x80, $0x38;
	[tilespmem:$0x10080] =	vst v63  }
0x38: {  	_ =	swait.ge [sflag:s26], $0x80  }
0x39: {  	[sflag:s26] =	ssyncset.done $0x0  }
0x3a: {  	s12 =	rddreg [dreg:$0x3];
	[sflag:s26] =	ssyncadd.s32 $0xFFFFFF80  }
0x3b: {  	[tilespmem:s2], [sflag:$0x1] =	stream.linear.gather [hbm4b:s12+s2], $0x4000, $0x38;
	[tilespmem:$0x10080] =	vst v63  }
0x3c: {  	s13 =	rddreg [dreg:$0x5]  }
0x3d: {  	[tilespmem:s28], [sflag:$0x2] =	stream.linear.gather [hbm4b:s13+s2], $0x4000, $0x38;
	[tilespmem:$0x10080] =	vst v63  }
0x3e: {  	s15 =	rddreg [dreg:$0x7]  }
0x3f: {  	[tilespmem:s29], [sflag:$0x3] =	stream.linear.gather [hbm4b:s15+s2], $0x4000, $0x38;
	[tilespmem:$0x10080] =	vst v63  }
0x40: {  	s16 =	rddreg [dreg:$0x8]  }
0x41: {  	[tilespmem:s30], [sflag:$0x4] =	stream.linear.gather [hbm4b:s16+s2], $0x4000, $0x38;
	[tilespmem:$0x10080] =	vst v63  }
0x42: {  	_ =	swait.ge [sflag:s31], $0x4000  }
0x43: {  	s11 =	sadd.s32 $0x0, s18;
	[sflag:s31] =	ssyncset.done $0x0  }
0x44: {  	p0 =	slt.s32 s11, $0x7F;
	[sflag:s31] =	ssyncadd.s32 $0xFFFFC000  }
0x45: {  	p1 =	slt.s32 s11, $0x80;
	s11 =	simm.s32 @!p0 $0x7F;
	v5 =	vld.idx.msk [tilespmem:v0+s25+$0x0], $0xffff  }
0x46: {  	s11 =	sshll.u32 s11, $0x7;
	s12 =	sadd.s32 $0x0, s20  }
0x47: {  	s11 =	sand.u32 $0x3FFFFF80, s11;
	v6 =	vmov s12  }
0x48: {  	v6 =	vbroadcast v6, $0x0;
	v7 =	vld [tilespmem:s11+$0x0]  }
0x49: {  	v8 =	vld [tilespmem:s11+$0x10]  }
0x4a: {  	vm3 =	vmmov vm0;
	vm1 =	vgt.s32 v5, $0x400;
	vm2 =	vgt.s32 v5, v6;
	v6 =	vld [tilespmem:s11+$0x20]  }
0x4b: {  	vm3 =	vmneg @p1 vm3;
	s13 =	sadd.s32 $0xA, s18;
	v11 =	vld [tilespmem:s11+$0x30];
	vm2 =	vmand vm1, vm2  }
0x4c: {  	p0 =	slt.s32 s13, $0x7F;
	s12 =	smov.u32 s13;
	v12 =	vld [tilespmem:s11+$0x40];
	vm2 =	vmand vm3, vm2  }
0x4d: {  	s12 =	simm.s32 @!p0 $0x7F;
	v13 =	vld [tilespmem:s11+$0x50];
	v7 =	vsel vm2, $0x0, v7  }
0x4e: {  	s15 =	sadd.s32 $0xA, s20;
	s12 =	sshll.u32 s12, $0x7;
	v10 =	vld [tilespmem:s11+$0x60];
	[tilespmem:s11+$0x0] =	vst v7;
	v7 =	vsel vm2, $0x0, v8  }
0x4f: {  	s12 =	sand.u32 $0x3FFFFF80, s12;
	v9 =	vld [tilespmem:s11+$0x70];
	[tilespmem:s11+$0x10] =	vst v7;
	v6 =	vsel vm2, $0x0, v6;
	v7 =	vmov s15  }
0x50: {  	v11 =	vsel vm2, $0x0, v11;
	v8 =	vld [tilespmem:s12+$0x0];
	[tilespmem:s11+$0x20] =	vst v6;
	v14 =	vbroadcast v7, $0x0  }
0x51: {  	v6 =	vld [tilespmem:s12+$0x10];
	[tilespmem:s11+$0x30] =	vst v11;
	v11 =	vsel vm2, $0x0, v12  }
0x52: {  	p1 =	slt.s32 s13, $0x80;
	s13 =	simm.s32 $0x14;
	v7 =	vld [tilespmem:s12+$0x20];
	vm3 =	vgt.s32 v5, v14;
	[tilespmem:s11+$0x40] =	vst v11;
	v11 =	vsel vm2, $0x0, v13  }
.LBB2_2:
0x53: {  	vm4 =	vmmov vm0  }
0x54: {  	s16 =	sadd.s32 s13, s18;
	p0 =	sne.s32 s13, $0x78;
	vm3 =	vmand vm1, vm3;
	v12 =	vld [tilespmem:s12+$0x30];
	[tilespmem:s11+$0x50] =	vst v11;
	v10 =	vsel vm2, $0x0, v10;
	vm4 =	vmneg @p1 vm4  }
0x55: {  	p1 =	slt.s32 s16, $0x7F;
	v9 =	vsel vm2, $0x0, v9;
	s15 =	smov.u32 s16;
	v11 =	vld [tilespmem:s12+$0x40];
	[tilespmem:s11+$0x60] =	vst v10;
	vm2 =	vmand vm4, vm3  }
0x56: {  	s15 =	simm.s32 @!p1 $0x7F;
	v8 =	vsel vm2, $0x0, v8;
	v13 =	vld [tilespmem:s12+$0x50];
	[tilespmem:s11+$0x70] =	vst v9;
	s11 =	smov.u32 s12  }
.Ltmp0:
0x57: {  	s12 =	sadd.s32 s13, s20;
	s15 =	sshll.u32 s15, $0x7;
	v6 =	vsel vm2, $0x0, v6;
	[tilespmem:s11+$0x0] =	vst v8;
	v10 =	vld [tilespmem:s11+$0x60];
	(pc) =	sbr.rel @p0 .LBB2_2-.Ltmp0, $4  }
0x58: {  	v8 =	vmov s12;
	s12 =	sand.u32 $0x3FFFFF80, s15;
	[tilespmem:s11+$0x10] =	vst v6;
	v6 =	vsel vm2, $0x0, v7;
	v9 =	vld [tilespmem:s11+$0x70]  }
0x59: {  	v7 =	vbroadcast v8, $0x0;
	v12 =	vsel vm2, $0x0, v12;
	v8 =	vld [tilespmem:s12+$0x0];
	[tilespmem:s11+$0x20] =	vst v6  }
0x5a: {  	v6 =	vld [tilespmem:s12+$0x10];
	[tilespmem:s11+$0x30] =	vst v12;
	v11 =	vsel vm2, $0x0, v11  }
0x5b: {  	p1 =	slt.s32 s16, $0x80;
	s13 =	sadd.s32 $0xA, s13;
	vm3 =	vgt.s32 v5, v7;
	v7 =	vld [tilespmem:s12+$0x20];
	[tilespmem:s11+$0x40] =	vst v11;
	v11 =	vsel vm2, $0x0, v13  }
0x5c: {  	vm4 =	vmmov vm0  }
0x5d: {  	v5 =	vld [tilespmem:s12+$0x30];
	[tilespmem:s11+$0x50] =	vst v11;
	v10 =	vsel vm2, $0x0, v10;
	vm1 =	vmand vm1, vm3;
	vm4 =	vmneg @p1 vm4  }
0x5e: {  	v11 =	vld [tilespmem:s12+$0x40];
	[tilespmem:s11+$0x60] =	vst v10;
	v9 =	vsel vm2, $0x0, v9;
	vm1 =	vmand vm4, vm1  }
0x5f: {  	v10 =	vld [tilespmem:s12+$0x50];
	[tilespmem:s11+$0x70] =	vst v9;
	v8 =	vsel vm1, $0x0, v8  }
0x60: {  	v6 =	vsel vm1, $0x0, v6;
	[tilespmem:s12+$0x0] =	vst v8;
	v8 =	vld [tilespmem:s12+$0x60]  }
0x61: {  	[tilespmem:s12+$0x10] =	vst v6;
	v6 =	vsel vm1, $0x0, v7;
	v7 =	vld [tilespmem:s12+$0x70]  }
0x62: {  	[tilespmem:s12+$0x20] =	vst v6;
	v5 =	vsel vm1, $0x0, v5  }
0x63: {  	[tilespmem:s12+$0x30] =	vst v5;
	v5 =	vsel vm1, $0x0, v11  }
0x64: {  	[tilespmem:s12+$0x40] =	vst v5;
	v5 =	vsel vm1, $0x0, v10  }
0x65: {  	[tilespmem:s12+$0x50] =	vst v5;
	v5 =	vsel vm1, $0x0, v8  }
0x66: {  	[tilespmem:s12+$0x60] =	vst v5;
	v5 =	vsel vm1, $0x0, v7  }
0x67: {  	s13 =	simm.s32 $0x0;
	s15 =	rddreg [dreg:$0x4];
	[tilespmem:s12+$0x70] =	vst v5  }
0x68: {  	[hbm4b:s15+s13] =	stream.linear.scatter [tilespmem:s13], [sflag:$0x5], $0x4000, $0x38;
	[tilespmem:$0x10080] =	vst v63  }
0x69: {  	_ =	swait.ge [sflag:s14], $0x4000  }
0x6a: {  	[sflag:s14] =	ssyncset.done $0x0  }
0x6b: {  	s11 =	sadd.s32 $0x0, s1;
	[sflag:s14] =	ssyncadd.s32 $0xFFFFC000  }
0x6c: {  	p0 =	slt.s32 s11, $0x7F;
	v5 =	vld.idx.msk [tilespmem:v1+s25+$0x0], $0xffff  }
0x6d: {  	p1 =	slt.s32 s11, $0x80;
	s11 =	simm.s32 @!p0 $0x7F  }
0x6e: {  	s11 =	sshll.u32 s11, $0x7  }
0x6f: {  	s11 =	sand.u32 $0x3FFFFF80, s11  }
0x70: {  	v6 =	vld [tilespmem:s11+$0x4000]  }
0x71: {  	s16 =	sadd.s32 $0x0, s21;
	v7 =	vld [tilespmem:s11+$0x4010];
	vm1 =	vgt.s32 v5, $0x400  }
0x72: {  	v8 =	vmov s16;
	v11 =	vld [tilespmem:s11+$0x4020];
	v5 =	vnsel vm1, $0x0, v5;
	vm1 =	vmmov vm0  }
0x73: {  	s13 =	sadd.s32 $0xA, s1;
	vm1 =	vmneg @p1 vm1;
	vm2 =	vlt.s32 v8, v5;
	v8 =	vld [tilespmem:s11+$0x4030]  }
0x74: {  	p0 =	slt.s32 s13, $0x7F;
	s12 =	smov.u32 s13;
	v12 =	vld [tilespmem:s11+$0x4040];
	vm1 =	vmand vm1, vm2  }
0x75: {  	s12 =	simm.s32 @!p0 $0x7F;
	v13 =	vld [tilespmem:s11+$0x4050];
	v6 =	vsel vm1, $0x0, v6  }
0x76: {  	s12 =	sshll.u32 s12, $0x7;
	v10 =	vld [tilespmem:s11+$0x4060];
	[tilespmem:s11+$0x4000] =	vst v6;
	v6 =	vsel vm1, $0x0, v7  }
0x77: {  	s12 =	sand.u32 $0x3FFFFF80, s12;
	v9 =	vld [tilespmem:s11+$0x4070];
	[tilespmem:s11+$0x4010] =	vst v6;
	v6 =	vsel vm1, $0x0, v11  }
0x78: {  	v7 =	vld [tilespmem:s12+$0x4000];
	[tilespmem:s11+$0x4020] =	vst v6;
	v8 =	vsel vm1, $0x0, v8  }
0x79: {  	s15 =	sadd.s32 $0xA, s21;
	v12 =	vsel vm1, $0x0, v12;
	v6 =	vld [tilespmem:s12+$0x4010];
	[tilespmem:s11+$0x4030] =	vst v8  }
0x7a: {  	p1 =	slt.s32 s13, $0x80;
	s13 =	simm.s32 $0x14;
	v11 =	vmov s15;
	v8 =	vld [tilespmem:s12+$0x4020];
	[tilespmem:s11+$0x4040] =	vst v12;
	v12 =	vsel vm1, $0x0, v13  }
.LBB2_4:
0x7b: {  	vm2 =	vmmov vm0  }
0x7c: {  	s15 =	sadd.s32 s13, s1;
	p0 =	sne.s32 s13, $0x78;
	vm3 =	vlt.s32 v11, v5;
	v11 =	vld [tilespmem:s12+$0x4030];
	[tilespmem:s11+$0x4050] =	vst v12;
	v10 =	vsel vm1, $0x0, v10;
	vm2 =	vmneg @p1 vm2  }
0x7d: {  	p1 =	slt.s32 s15, $0x7F;
	v9 =	vsel vm1, $0x0, v9;
	s16 =	smov.u32 s15;
	v12 =	vld [tilespmem:s12+$0x4040];
	[tilespmem:s11+$0x4060] =	vst v10;
	vm1 =	vmand vm2, vm3  }
0x7e: {  	s16 =	simm.s32 @!p1 $0x7F;
	v7 =	vsel vm1, $0x0, v7;
	v13 =	vld [tilespmem:s12+$0x4050];
	[tilespmem:s11+$0x4070] =	vst v9;
	s11 =	smov.u32 s12  }
.Ltmp1:
0x7f: {  	s12 =	sshll.u32 s16, $0x7;
	v6 =	vsel vm1, $0x0, v6;
	[tilespmem:s11+$0x4000] =	vst v7;
	v10 =	vld [tilespmem:s11+$0x4060];
	(pc) =	sbr.rel @p0 .LBB2_4-.Ltmp1, $4  }
0x80: {  	s12 =	sand.u32 $0x3FFFFF80, s12;
	[tilespmem:s11+$0x4010] =	vst v6;
	v6 =	vsel vm1, $0x0, v8;
	v9 =	vld [tilespmem:s11+$0x4070]  }
0x81: {  	v8 =	vsel vm1, $0x0, v11;
	v7 =	vld [tilespmem:s12+$0x4000];
	[tilespmem:s11+$0x4020] =	vst v6  }
0x82: {  	s16 =	sadd.s32 s13, s21;
	v6 =	vld [tilespmem:s12+$0x4010];
	[tilespmem:s11+$0x4030] =	vst v8;
	v12 =	vsel vm1, $0x0, v12  }
0x83: {  	p1 =	slt.s32 s15, $0x80;
	s13 =	sadd.s32 $0xA, s13;
	v11 =	vmov s16;
	v8 =	vld [tilespmem:s12+$0x4020];
	[tilespmem:s11+$0x4040] =	vst v12;
	v12 =	vsel vm1, $0x0, v13  }
0x84: {  	vm2 =	vmmov vm0  }
0x85: {  	v13 =	vld [tilespmem:s12+$0x4030];
	[tilespmem:s11+$0x4050] =	vst v12;
	v10 =	vsel vm1, $0x0, v10;
	vm3 =	vlt.s32 v11, v5;
	vm2 =	vmneg @p1 vm2  }
0x86: {  	v12 =	vld [tilespmem:s12+$0x4040];
	[tilespmem:s11+$0x4060] =	vst v10;
	v5 =	vsel vm1, $0x0, v9;
	vm2 =	vmand vm2, vm3  }
0x87: {  	v9 =	vld [tilespmem:s12+$0x4050];
	[tilespmem:s11+$0x4070] =	vst v5;
	v7 =	vsel vm2, $0x0, v7  }
0x88: {  	v5 =	vsel vm2, $0x0, v6;
	v6 =	vld [tilespmem:s12+$0x4060];
	[tilespmem:s12+$0x4000] =	vst v7  }
0x89: {  	[tilespmem:s12+$0x4010] =	vst v5;
	v5 =	vsel vm2, $0x0, v8;
	v7 =	vld [tilespmem:s12+$0x4070]  }
0x8a: {  	[tilespmem:s12+$0x4020] =	vst v5;
	v5 =	vsel vm2, $0x0, v13  }
0x8b: {  	[tilespmem:s12+$0x4030] =	vst v5;
	v5 =	vsel vm2, $0x0, v12  }
0x8c: {  	[tilespmem:s12+$0x4040] =	vst v5;
	v5 =	vsel vm2, $0x0, v9  }
0x8d: {  	[tilespmem:s12+$0x4050] =	vst v5;
	v5 =	vsel vm2, $0x0, v6  }
0x8e: {  	[tilespmem:s12+$0x4060] =	vst v5;
	v5 =	vsel vm2, $0x0, v7  }
0x8f: {  	s16 =	simm.s32 $0x0;
	s13 =	rddreg [dreg:$0x6];
	[tilespmem:s12+$0x4070] =	vst v5  }
0x90: {  	[hbm4b:s13+s16] =	stream.linear.scatter [tilespmem:s28], [sflag:$0x6], $0x4000, $0x38;
	[tilespmem:$0x10080] =	vst v63  }
0x91: {  	_ =	swait.ge [sflag:s0], $0x4000  }
0x92: {  	[sflag:s0] =	ssyncset.done $0x0  }
0x93: {  	s15 =	rddreg [dreg:$0x9];
	[sflag:s0] =	ssyncadd.s32 $0xFFFFC000  }
0x94: {  	[tilespmem:s16], [sflag:$0x1] =	stream.linear.gather [hbm4b:s15+s16], $0x4000, $0x38;
	[tilespmem:$0x10080] =	vst v63  }
0x95: {  	_ =	swait.ge [sflag:s17], $0x4000  }
0x96: {  	[sflag:s17] =	ssyncset.done $0x0  }
0x97: {  	s11 =	sadd.s32 $0x0, s3;
	[sflag:s17] =	ssyncadd.s32 $0xFFFFC000  }
0x98: {  	p0 =	slt.s32 s11, $0x7F;
	v5 =	vld.idx.msk [tilespmem:v2+s25+$0x0], $0xffff  }
0x99: {  	p1 =	slt.s32 s11, $0x80;
	s11 =	simm.s32 @!p0 $0x7F  }
0x9a: {  	s11 =	sshll.u32 s11, $0x7  }
0x9b: {  	s11 =	sand.u32 $0x3FFFFF80, s11  }
0x9c: {  	v6 =	vld [tilespmem:s11+$0x8000]  }
0x9d: {  	s16 =	sadd.s32 $0x0, s22;
	v7 =	vld [tilespmem:s11+$0x8010];
	vm1 =	vgt.s32 v5, $0x400  }
0x9e: {  	v8 =	vmov s16;
	v11 =	vld [tilespmem:s11+$0x8020];
	v5 =	vnsel vm1, $0x0, v5;
	vm1 =	vmmov vm0  }
0x9f: {  	s13 =	sadd.s32 $0xA, s3;
	vm1 =	vmneg @p1 vm1;
	vm2 =	vlt.s32 v8, v5;
	v8 =	vld [tilespmem:s11+$0x8030]  }
0xa0: {  	p0 =	slt.s32 s13, $0x7F;
	s12 =	smov.u32 s13;
	v12 =	vld [tilespmem:s11+$0x8040];
	vm1 =	vmand vm1, vm2  }
0xa1: {  	s12 =	simm.s32 @!p0 $0x7F;
	v13 =	vld [tilespmem:s11+$0x8050];
	v6 =	vsel vm1, $0x0, v6  }
0xa2: {  	s12 =	sshll.u32 s12, $0x7;
	v10 =	vld [tilespmem:s11+$0x8060];
	[tilespmem:s11+$0x8000] =	vst v6;
	v6 =	vsel vm1, $0x0, v7  }
0xa3: {  	s12 =	sand.u32 $0x3FFFFF80, s12;
	v9 =	vld [tilespmem:s11+$0x8070];
	[tilespmem:s11+$0x8010] =	vst v6;
	v6 =	vsel vm1, $0x0, v11  }
0xa4: {  	v7 =	vld [tilespmem:s12+$0x8000];
	[tilespmem:s11+$0x8020] =	vst v6;
	v8 =	vsel vm1, $0x0, v8  }
0xa5: {  	s15 =	sadd.s32 $0xA, s22;
	v12 =	vsel vm1, $0x0, v12;
	v6 =	vld [tilespmem:s12+$0x8010];
	[tilespmem:s11+$0x8030] =	vst v8  }
0xa6: {  	p1 =	slt.s32 s13, $0x80;
	s13 =	simm.s32 $0x14;
	v11 =	vmov s15;
	v8 =	vld [tilespmem:s12+$0x8020];
	[tilespmem:s11+$0x8040] =	vst v12;
	v12 =	vsel vm1, $0x0, v13  }
.LBB2_6:
0xa7: {  	vm2 =	vmmov vm0  }
0xa8: {  	s15 =	sadd.s32 s13, s3;
	p0 =	sne.s32 s13, $0x78;
	vm3 =	vlt.s32 v11, v5;
	v11 =	vld [tilespmem:s12+$0x8030];
	[tilespmem:s11+$0x8050] =	vst v12;
	v10 =	vsel vm1, $0x0, v10;
	vm2 =	vmneg @p1 vm2  }
0xa9: {  	p1 =	slt.s32 s15, $0x7F;
	v9 =	vsel vm1, $0x0, v9;
	s16 =	smov.u32 s15;
	v12 =	vld [tilespmem:s12+$0x8040];
	[tilespmem:s11+$0x8060] =	vst v10;
	vm1 =	vmand vm2, vm3  }
0xaa: {  	s16 =	simm.s32 @!p1 $0x7F;
	v7 =	vsel vm1, $0x0, v7;
	v13 =	vld [tilespmem:s12+$0x8050];
	[tilespmem:s11+$0x8070] =	vst v9;
	s11 =	smov.u32 s12  }
.Ltmp2:
0xab: {  	s12 =	sshll.u32 s16, $0x7;
	v6 =	vsel vm1, $0x0, v6;
	[tilespmem:s11+$0x8000] =	vst v7;
	v10 =	vld [tilespmem:s11+$0x8060];
	(pc) =	sbr.rel @p0 .LBB2_6-.Ltmp2, $4  }
0xac: {  	s12 =	sand.u32 $0x3FFFFF80, s12;
	[tilespmem:s11+$0x8010] =	vst v6;
	v6 =	vsel vm1, $0x0, v8;
	v9 =	vld [tilespmem:s11+$0x8070]  }
0xad: {  	v8 =	vsel vm1, $0x0, v11;
	v7 =	vld [tilespmem:s12+$0x8000];
	[tilespmem:s11+$0x8020] =	vst v6  }
0xae: {  	s16 =	sadd.s32 s13, s22;
	v6 =	vld [tilespmem:s12+$0x8010];
	[tilespmem:s11+$0x8030] =	vst v8;
	v12 =	vsel vm1, $0x0, v12  }
0xaf: {  	p1 =	slt.s32 s15, $0x80;
	s13 =	sadd.s32 $0xA, s13;
	v11 =	vmov s16;
	v8 =	vld [tilespmem:s12+$0x8020];
	[tilespmem:s11+$0x8040] =	vst v12;
	v12 =	vsel vm1, $0x0, v13  }
0xb0: {  	vm2 =	vmmov vm0  }
0xb1: {  	v13 =	vld [tilespmem:s12+$0x8030];
	[tilespmem:s11+$0x8050] =	vst v12;
	v10 =	vsel vm1, $0x0, v10;
	vm3 =	vlt.s32 v11, v5;
	vm2 =	vmneg @p1 vm2  }
0xb2: {  	v12 =	vld [tilespmem:s12+$0x8040];
	[tilespmem:s11+$0x8060] =	vst v10;
	v5 =	vsel vm1, $0x0, v9;
	vm2 =	vmand vm2, vm3  }
0xb3: {  	v9 =	vld [tilespmem:s12+$0x8050];
	[tilespmem:s11+$0x8070] =	vst v5;
	v7 =	vsel vm2, $0x0, v7  }
0xb4: {  	v5 =	vsel vm2, $0x0, v6;
	v6 =	vld [tilespmem:s12+$0x8060];
	[tilespmem:s12+$0x8000] =	vst v7  }
0xb5: {  	[tilespmem:s12+$0x8010] =	vst v5;
	v5 =	vsel vm2, $0x0, v8;
	v7 =	vld [tilespmem:s12+$0x8070]  }
0xb6: {  	[tilespmem:s12+$0x8020] =	vst v5;
	v5 =	vsel vm2, $0x0, v13  }
0xb7: {  	[tilespmem:s12+$0x8030] =	vst v5;
	v5 =	vsel vm2, $0x0, v12  }
0xb8: {  	[tilespmem:s12+$0x8040] =	vst v5;
	v5 =	vsel vm2, $0x0, v9  }
0xb9: {  	[tilespmem:s12+$0x8050] =	vst v5;
	v5 =	vsel vm2, $0x0, v6  }
0xba: {  	[tilespmem:s12+$0x8060] =	vst v5;
	v5 =	vsel vm2, $0x0, v7  }
0xbb: {  	s13 =	simm.s32 $0x0;
	s15 =	rddreg [dreg:$0xa];
	[tilespmem:s12+$0x8070] =	vst v5  }
0xbc: {  	[hbm4b:s15+s13] =	stream.linear.scatter [tilespmem:s29], [sflag:$0x7], $0x4000, $0x38;
	[tilespmem:$0x10080] =	vst v63  }
0xbd: {  	_ =	swait.ge [sflag:s6], $0x4000  }
0xbe: {  	[sflag:s6] =	ssyncset.done $0x0  }
0xbf: {  	s11 =	sadd.s32 $0x0, s4;
	[sflag:s6] =	ssyncadd.s32 $0xFFFFC000  }
0xc0: {  	p0 =	slt.s32 s11, $0x7F;
	v5 =	vld.idx.msk [tilespmem:v3+s25+$0x0], $0xffff  }
0xc1: {  	p1 =	slt.s32 s11, $0x80;
	s11 =	simm.s32 @!p0 $0x7F  }
0xc2: {  	s11 =	sshll.u32 s11, $0x7  }
0xc3: {  	s11 =	sand.u32 $0x3FFFFF80, s11  }
0xc4: {  	v6 =	vld [tilespmem:s11+$0xC000]  }
0xc5: {  	s16 =	sadd.s32 $0x0, s23;
	v7 =	vld [tilespmem:s11+$0xC010];
	vm1 =	vgt.s32 v5, $0x400  }
0xc6: {  	v8 =	vmov s16;
	v11 =	vld [tilespmem:s11+$0xC020];
	v5 =	vnsel vm1, $0x0, v5;
	vm1 =	vmmov vm0  }
0xc7: {  	s13 =	sadd.s32 $0xA, s4;
	vm1 =	vmneg @p1 vm1;
	vm2 =	vlt.s32 v8, v5;
	v8 =	vld [tilespmem:s11+$0xC030]  }
0xc8: {  	p0 =	slt.s32 s13, $0x7F;
	s12 =	smov.u32 s13;
	v12 =	vld [tilespmem:s11+$0xC040];
	vm1 =	vmand vm1, vm2  }
0xc9: {  	s12 =	simm.s32 @!p0 $0x7F;
	v13 =	vld [tilespmem:s11+$0xC050];
	v6 =	vsel vm1, $0x0, v6  }
0xca: {  	s12 =	sshll.u32 s12, $0x7;
	v10 =	vld [tilespmem:s11+$0xC060];
	[tilespmem:s11+$0xC000] =	vst v6;
	v6 =	vsel vm1, $0x0, v7  }
0xcb: {  	s12 =	sand.u32 $0x3FFFFF80, s12;
	v9 =	vld [tilespmem:s11+$0xC070];
	[tilespmem:s11+$0xC010] =	vst v6;
	v6 =	vsel vm1, $0x0, v11  }
0xcc: {  	v7 =	vld [tilespmem:s12+$0xC000];
	[tilespmem:s11+$0xC020] =	vst v6;
	v8 =	vsel vm1, $0x0, v8  }
0xcd: {  	s15 =	sadd.s32 $0xA, s23;
	v12 =	vsel vm1, $0x0, v12;
	v6 =	vld [tilespmem:s12+$0xC010];
	[tilespmem:s11+$0xC030] =	vst v8  }
0xce: {  	p1 =	slt.s32 s13, $0x80;
	s13 =	simm.s32 $0x14;
	v11 =	vmov s15;
	v8 =	vld [tilespmem:s12+$0xC020];
	[tilespmem:s11+$0xC040] =	vst v12;
	v12 =	vsel vm1, $0x0, v13  }
.LBB2_8:
0xcf: {  	vm2 =	vmmov vm0  }
0xd0: {  	s15 =	sadd.s32 s13, s4;
	p0 =	sne.s32 s13, $0x78;
	vm3 =	vlt.s32 v11, v5;
	v11 =	vld [tilespmem:s12+$0xC030];
	[tilespmem:s11+$0xC050] =	vst v12;
	v10 =	vsel vm1, $0x0, v10;
	vm2 =	vmneg @p1 vm2  }
0xd1: {  	p1 =	slt.s32 s15, $0x7F;
	v9 =	vsel vm1, $0x0, v9;
	s16 =	smov.u32 s15;
	v12 =	vld [tilespmem:s12+$0xC040];
	[tilespmem:s11+$0xC060] =	vst v10;
	vm1 =	vmand vm2, vm3  }
0xd2: {  	s16 =	simm.s32 @!p1 $0x7F;
	v7 =	vsel vm1, $0x0, v7;
	v13 =	vld [tilespmem:s12+$0xC050];
	[tilespmem:s11+$0xC070] =	vst v9;
	s11 =	smov.u32 s12  }
.Ltmp3:
0xd3: {  	s12 =	sshll.u32 s16, $0x7;
	v6 =	vsel vm1, $0x0, v6;
	[tilespmem:s11+$0xC000] =	vst v7;
	v10 =	vld [tilespmem:s11+$0xC060];
	(pc) =	sbr.rel @p0 .LBB2_8-.Ltmp3, $4  }
0xd4: {  	s12 =	sand.u32 $0x3FFFFF80, s12;
	[tilespmem:s11+$0xC010] =	vst v6;
	v6 =	vsel vm1, $0x0, v8;
	v9 =	vld [tilespmem:s11+$0xC070]  }
0xd5: {  	v8 =	vsel vm1, $0x0, v11;
	v7 =	vld [tilespmem:s12+$0xC000];
	[tilespmem:s11+$0xC020] =	vst v6  }
0xd6: {  	s16 =	sadd.s32 s13, s23;
	v6 =	vld [tilespmem:s12+$0xC010];
	[tilespmem:s11+$0xC030] =	vst v8;
	v12 =	vsel vm1, $0x0, v12  }
0xd7: {  	p1 =	slt.s32 s15, $0x80;
	s13 =	sadd.s32 $0xA, s13;
	v11 =	vmov s16;
	v8 =	vld [tilespmem:s12+$0xC020];
	[tilespmem:s11+$0xC040] =	vst v12;
	v12 =	vsel vm1, $0x0, v13  }
0xd8: {  	vm2 =	vmmov vm0  }
0xd9: {  	v13 =	vld [tilespmem:s12+$0xC030];
	[tilespmem:s11+$0xC050] =	vst v12;
	v10 =	vsel vm1, $0x0, v10;
	vm3 =	vlt.s32 v11, v5;
	vm2 =	vmneg @p1 vm2  }
0xda: {  	v12 =	vld [tilespmem:s12+$0xC040];
	[tilespmem:s11+$0xC060] =	vst v10;
	v5 =	vsel vm1, $0x0, v9;
	vm2 =	vmand vm2, vm3  }
0xdb: {  	v9 =	vld [tilespmem:s12+$0xC050];
	[tilespmem:s11+$0xC070] =	vst v5;
	v7 =	vsel vm2, $0x0, v7  }
0xdc: {  	v5 =	vsel vm2, $0x0, v6;
	v6 =	vld [tilespmem:s12+$0xC060];
	[tilespmem:s12+$0xC000] =	vst v7  }
0xdd: {  	[tilespmem:s12+$0xC010] =	vst v5;
	v5 =	vsel vm2, $0x0, v8;
	v7 =	vld [tilespmem:s12+$0xC070]  }
0xde: {  	[tilespmem:s12+$0xC020] =	vst v5;
	v5 =	vsel vm2, $0x0, v13  }
0xdf: {  	[tilespmem:s12+$0xC030] =	vst v5;
	v5 =	vsel vm2, $0x0, v12  }
0xe0: {  	[tilespmem:s12+$0xC040] =	vst v5;
	v5 =	vsel vm2, $0x0, v9  }
0xe1: {  	[tilespmem:s12+$0xC050] =	vst v5;
	v5 =	vsel vm2, $0x0, v6  }
0xe2: {  	[tilespmem:s12+$0xC060] =	vst v5;
	v5 =	vsel vm2, $0x0, v7  }
0xe3: {  	s13 =	simm.s32 $0x0;
	s15 =	rddreg [dreg:$0xb];
	[tilespmem:s12+$0xC070] =	vst v5  }
0xe4: {  	[hbm4b:s15+s13] =	stream.linear.scatter [tilespmem:s30], [sflag:$0x8], $0x4000, $0x38;
	[tilespmem:$0x10080] =	vst v63  }
0xe5: {  	_ =	swait.ge [sflag:s31], $0x4000  }
0xe6: {  	[sflag:s31] =	ssyncset.done $0x0  }
0xe7: {  	s11 =	sadd.s32 $0x0, s5;
	[sflag:s31] =	ssyncadd.s32 $0xFFFFC000  }
0xe8: {  	p0 =	slt.s32 s11, $0x7F;
	v5 =	vld.idx.msk [tilespmem:v4+s25+$0x0], $0xffff  }
0xe9: {  	p1 =	slt.s32 s11, $0x80;
	s11 =	simm.s32 @!p0 $0x7F  }
0xea: {  	s11 =	sshll.u32 s11, $0x7  }
0xeb: {  	s11 =	sand.u32 $0x3FFFFF80, s11  }
0xec: {  	v6 =	vld [tilespmem:s11+$0x0]  }
0xed: {  	s16 =	sadd.s32 $0x0, s24;
	v7 =	vld [tilespmem:s11+$0x10];
	vm1 =	vgt.s32 v5, $0x400  }
0xee: {  	v8 =	vmov s16;
	v11 =	vld [tilespmem:s11+$0x20];
	v5 =	vnsel vm1, $0x0, v5;
	vm1 =	vmmov vm0  }
0xef: {  	s13 =	sadd.s32 $0xA, s5;
	vm1 =	vmneg @p1 vm1;
	vm2 =	vlt.s32 v8, v5;
	v8 =	vld [tilespmem:s11+$0x30]  }
0xf0: {  	p0 =	slt.s32 s13, $0x7F;
	s12 =	smov.u32 s13;
	v12 =	vld [tilespmem:s11+$0x40];
	vm1 =	vmand vm1, vm2  }
0xf1: {  	s12 =	simm.s32 @!p0 $0x7F;
	v13 =	vld [tilespmem:s11+$0x50];
	v6 =	vsel vm1, $0x0, v6  }
0xf2: {  	s12 =	sshll.u32 s12, $0x7;
	v10 =	vld [tilespmem:s11+$0x60];
	[tilespmem:s11+$0x0] =	vst v6;
	v6 =	vsel vm1, $0x0, v7  }
0xf3: {  	s12 =	sand.u32 $0x3FFFFF80, s12;
	v9 =	vld [tilespmem:s11+$0x70];
	[tilespmem:s11+$0x10] =	vst v6;
	v6 =	vsel vm1, $0x0, v11  }
0xf4: {  	v7 =	vld [tilespmem:s12+$0x0];
	[tilespmem:s11+$0x20] =	vst v6;
	v8 =	vsel vm1, $0x0, v8  }
0xf5: {  	s15 =	sadd.s32 $0xA, s24;
	v12 =	vsel vm1, $0x0, v12;
	v6 =	vld [tilespmem:s12+$0x10];
	[tilespmem:s11+$0x30] =	vst v8  }
0xf6: {  	p1 =	slt.s32 s13, $0x80;
	s13 =	simm.s32 $0x14;
	v11 =	vmov s15;
	v8 =	vld [tilespmem:s12+$0x20];
	[tilespmem:s11+$0x40] =	vst v12;
	v12 =	vsel vm1, $0x0, v13  }
.LBB2_10:
0xf7: {  	vm2 =	vmmov vm0  }
0xf8: {  	s15 =	sadd.s32 s13, s5;
	p0 =	sne.s32 s13, $0x78;
	vm3 =	vlt.s32 v11, v5;
	v11 =	vld [tilespmem:s12+$0x30];
	[tilespmem:s11+$0x50] =	vst v12;
	v10 =	vsel vm1, $0x0, v10;
	vm2 =	vmneg @p1 vm2  }
0xf9: {  	p1 =	slt.s32 s15, $0x7F;
	v9 =	vsel vm1, $0x0, v9;
	s16 =	smov.u32 s15;
	v12 =	vld [tilespmem:s12+$0x40];
	[tilespmem:s11+$0x60] =	vst v10;
	vm1 =	vmand vm2, vm3  }
0xfa: {  	s16 =	simm.s32 @!p1 $0x7F;
	v7 =	vsel vm1, $0x0, v7;
	v13 =	vld [tilespmem:s12+$0x50];
	[tilespmem:s11+$0x70] =	vst v9;
	s11 =	smov.u32 s12  }
.Ltmp4:
0xfb: {  	s12 =	sshll.u32 s16, $0x7;
	v6 =	vsel vm1, $0x0, v6;
	[tilespmem:s11+$0x0] =	vst v7;
	v10 =	vld [tilespmem:s11+$0x60];
	(pc) =	sbr.rel @p0 .LBB2_10-.Ltmp4, $4  }
0xfc: {  	s12 =	sand.u32 $0x3FFFFF80, s12;
	[tilespmem:s11+$0x10] =	vst v6;
	v6 =	vsel vm1, $0x0, v8;
	v9 =	vld [tilespmem:s11+$0x70]  }
0xfd: {  	v8 =	vsel vm1, $0x0, v11;
	v7 =	vld [tilespmem:s12+$0x0];
	[tilespmem:s11+$0x20] =	vst v6  }
0xfe: {  	s16 =	sadd.s32 s13, s24;
	v6 =	vld [tilespmem:s12+$0x10];
	[tilespmem:s11+$0x30] =	vst v8;
	v12 =	vsel vm1, $0x0, v12  }
0xff: {  	p1 =	slt.s32 s15, $0x80;
	s13 =	sadd.s32 $0xA, s13;
	v11 =	vmov s16;
	v8 =	vld [tilespmem:s12+$0x20];
	[tilespmem:s11+$0x40] =	vst v12;
	v12 =	vsel vm1, $0x0, v13  }
0x100: {  	vm2 =	vmmov vm0  }
0x101: {  	v13 =	vld [tilespmem:s12+$0x30];
	[tilespmem:s11+$0x50] =	vst v12;
	v10 =	vsel vm1, $0x0, v10;
	vm3 =	vlt.s32 v11, v5;
	vm2 =	vmneg @p1 vm2  }
0x102: {  	v12 =	vld [tilespmem:s12+$0x40];
	[tilespmem:s11+$0x60] =	vst v10;
	v5 =	vsel vm1, $0x0, v9;
	vm2 =	vmand vm2, vm3  }
0x103: {  	v63 =	vld [tilespmem:s12+$0x50];
	[tilespmem:s11+$0x70] =	vst v5;
	v7 =	vsel vm2, $0x0, v7  }
0x104: {  	v5 =	vsel vm2, $0x0, v6;
	v6 =	vld [tilespmem:s12+$0x60];
	[tilespmem:s12+$0x0] =	vst v7  }
0x105: {  	[tilespmem:s12+$0x10] =	vst v5;
	v5 =	vsel vm2, $0x0, v8;
	v7 =	vld [tilespmem:s12+$0x70]  }
0x106: {  	[tilespmem:s12+$0x20] =	vst v5;
	v5 =	vsel vm2, $0x0, v13  }
0x107: {  	[tilespmem:s12+$0x30] =	vst v5;
	v5 =	vsel vm2, $0x0, v12  }
0x108: {  	[tilespmem:s12+$0x40] =	vst v5;
	v5 =	vsel vm2, $0x0, v63  }
0x109: {  	[tilespmem:s12+$0x50] =	vst v5;
	v5 =	vsel vm2, $0x0, v6  }
0x10a: {  	[tilespmem:s12+$0x60] =	vst v5;
	v5 =	vsel vm2, $0x0, v7  }
0x10b: {  	s16 =	rddreg [dreg:$0xc];
	[tilespmem:s12+$0x70] =	vst v5  }
0x10c: {  	[hbm4b:s16+s2] =	stream.linear.scatter [tilespmem:s2], [sflag:$0x5], $0x4000, $0x38;
	[tilespmem:$0x10080] =	vst v63  }
0x10d: {  	_ =	swait.ge [sflag:s7], $0x4000  }
0x10e: {  	[sflag:s7] =	ssyncset.done $0x0  }
0x10f: {  	[sflag:s7] =	ssyncadd.s32 $0xFFFFC000  }
0x110: {  	_ =	swait.ge [sflag:s8], $0x4000  }
0x111: {  	[sflag:s8] =	ssyncset.done $0x0  }
0x112: {  	s10 =	sadd.s32 $0x1, s10;
	[sflag:s8] =	ssyncadd.s32 $0xFFFFC000  }
0x113: {  	p0 =	sne.s32 s10, s19;
	_ =	swait.ge [sflag:s9], $0x4000  }
.Ltmp5:
0x114: {  	[sflag:s9] =	ssyncset.done $0x0;
	(pc) =	sbr.rel @p0 .LBB2_1-.Ltmp5, $4  }
0x115: {  	[sflag:s9] =	ssyncadd.s32 $0xFFFFC000  }
0x116: {  	_ =	swait.ge [sflag:s0], $0x4000  }
0x117: {  	[sflag:s0] =	ssyncset.done $0x0  }
0x118: {  	[sflag:s0] =	ssyncadd.s32 $0xFFFFC000  }
0x119: {  	_ =	sfence.sel $0x180000  }
0x11a: {  	[bflag:$0x0] =	sbarrier.arrive $0xFFFF  }
0x11b: {  	_ =	strace $0x90000047  }
0x11c: {  	s0 =	stileid.u32;
	[bflag:$0x2] =	sbarrier.arrive $0xFFFF  }
0x11d: {  	p0 =	sne.s32 s0, $0x0;
	s0 =	rddreg [dreg:$0x2]  }
0x11e: {  	s0 =	sadd.s32 @!p0 $0x100000, s0  }
0x11f: {  	[sflag:s0] =	ssyncadd.tile.s32 @!p0 $0x1;
	_ =	shalt  }
.Lfunc_end2:
_tile_overlayer_lowered:
.L_overlay_start_2:
0x120: {  	(tag) =	ssettag $0x2  }
0x121: {  	s0 =	rddreg [dreg:$0x0];
	s2 =	stileid.u32  }
0x122: {  	s1 =	rddreg [dreg:$0x1];
	p0 =	sne.s32 s2, $0x0  }
0x123: {  	s3 =	rddreg [dreg:$0x2];
	[bflag:$0x3] =	sbarrier.arrive $0xFFFF;
	s2 =	simm.s32 @!p0 $0x1C09  }
0x124: {  	[timem:s3], [sflag:s2] =	dma.local @!p0 [hbm:s0], s1  }
0x125: {  	s0 =	simm.s32 @!p0 $0x9  }
0x126: {  	_ =	swait.ge @!p0 [sflag:s0], s1  }
0x127: {  	s1 =	ssub.s32 @!p0 $0x0, s1;
	[sflag:s0] =	ssyncset.done @!p0 $0x0  }
0x128: {  	[sflag:s0] =	ssyncadd.s32 @!p0 s1  }
0x129: {  	[bflag:$0x3] =	sbarrier.arrive $0xFFFF  }
0x12a: {  	_ =	shalt  }

</sc_bundles>
